<compile_context>
chip_gen: v7x
topology: tpu7x:2x2x1
jax: 0.10.2.dev20260603
libtpu: 0.0.44.dev20260713+nightly
codegen_flags: <defaults>
</compile_context>

<pallas_src>
import jax
import jax.numpy as jnp
from jax.experimental import pallas as pl
from jax.experimental.pallas import tpu as pltpu

N = 10000
B = 200
HIDDEN = 128
N_RBF = 64
N_BLOCKS = 5
CUTOFF = 5.0

TI = 8
TJ = 128
NT_POOL = 1024
N_PAD = -(-N // NT_POOL) * NT_POOL
NN = N_PAD // NT_POOL
N_TILES = N_PAD // TI


def _silu(x):
    return x * jax.nn.sigmoid(x)


def _conv_body(bounds_ref, gam_ref, pos_ref, bat_ref, x_ref, cent_ref,
               wf1_ref, bf1_ref, wf2_ref, bf2_ref, wd_ref, out_ref, acc_ref,
               d_big, em_big):
    t = pl.program_id(0)
    a0 = t * TI
    jlo = bounds_ref[0, t]
    jhi = bounds_ref[1, t]
    gam = gam_ref[0, 0]
    acc_ref[...] = jnp.zeros_like(acc_ref)
    cent = cent_ref[...]

    def jloop(jt, carry):
        j0 = jt * TJ
        pj = pos_ref[pl.dslice(j0, TJ), :]
        bj = bat_ref[pl.dslice(j0, TJ), :]
        xj = x_ref[pl.dslice(j0, TJ), :]
        hd = jnp.dot(xj, wd_ref[...],
                     preferred_element_type=jnp.float32)
        for ii in range(TI):
            pi = pos_ref[pl.dslice(a0 + ii, 1), :]
            bi = bat_ref[pl.dslice(a0 + ii, 1), :]
            diff = pj - pi
            d = jnp.sqrt(jnp.sum(diff * diff, axis=1, keepdims=True))
            xc = jnp.clip(d / CUTOFF, 0.0, 1.0)
            env = 0.5 * (jnp.cos(jnp.pi * xc) + 1.0) * (
                xc < 1.0).astype(jnp.float32)
            msk = ((d > 0.0) & (d <= CUTOFF)
                   & (bj == bi)).astype(jnp.float32)
            d_big[pl.dslice(ii * TJ, TJ), :] = d
            em_big[pl.dslice(ii * TJ, TJ), :] = env * msk
        rbf = jnp.exp(-gam * (d_big[...] - cent) ** 2)
        h = _silu(jnp.dot(rbf, wf1_ref[...],
                          preferred_element_type=jnp.float32) + bf1_ref[...])
        w = jnp.dot(h, wf2_ref[...],
                    preferred_element_type=jnp.float32) + bf2_ref[...]
        wm = (w * em_big[...]).reshape(TI, TJ, HIDDEN)
        acc_ref[...] += jnp.sum(wm * hd.reshape(1, TJ, HIDDEN), axis=1)
        return carry

    jax.lax.fori_loop(jlo, jhi, jloop, 0)
    out_ref[...] = acc_ref[...]


def _conv_call(bounds, gam, posp, batp, x, cent, wf1t, bf1, wf2t, bf2, wdt):
    whole = lambda t: (0, 0)
    return pl.pallas_call(
        _conv_body,
        grid=(N_TILES,),
        in_specs=[
            pl.BlockSpec(memory_space=pltpu.SMEM),
            pl.BlockSpec(memory_space=pltpu.SMEM),
            pl.BlockSpec((N_PAD, 8), whole),
            pl.BlockSpec((N_PAD, 1), whole),
            pl.BlockSpec((N_PAD, HIDDEN), whole),
            pl.BlockSpec((1, N_RBF), whole),
            pl.BlockSpec((N_RBF, HIDDEN), whole),
            pl.BlockSpec((1, HIDDEN), whole),
            pl.BlockSpec((HIDDEN, HIDDEN), whole),
            pl.BlockSpec((1, HIDDEN), whole),
            pl.BlockSpec((HIDDEN, HIDDEN), whole),
        ],
        out_specs=pl.BlockSpec((TI, HIDDEN), lambda t: (t, 0)),
        out_shape=jax.ShapeDtypeStruct((N_PAD, HIDDEN), jnp.float32),
        scratch_shapes=[
            pltpu.VMEM((TI, HIDDEN), jnp.float32),
            pltpu.VMEM((TI * TJ, 1), jnp.float32),
            pltpu.VMEM((TI * TJ, 1), jnp.float32),
        ],
    )(bounds, gam, posp, batp, x, cent, wf1t, bf1, wf2t, bf2, wdt)


def _update_body(v_ref, x_ref, wb_ref, bb_ref, out_ref):
    s = _silu(v_ref[...])
    out_ref[...] = x_ref[...] + jnp.dot(
        s, wb_ref[...], preferred_element_type=jnp.float32) + bb_ref[...]


def _update_call(v, x, wbt, bb):
    zero2 = lambda n: (0, 0)
    return pl.pallas_call(
        _update_body,
        grid=(NN,),
        in_specs=[
            pl.BlockSpec((NT_POOL, HIDDEN), lambda n: (n, 0)),
            pl.BlockSpec((NT_POOL, HIDDEN), lambda n: (n, 0)),
            pl.BlockSpec((HIDDEN, HIDDEN), zero2),
            pl.BlockSpec((1, HIDDEN), zero2),
        ],
        out_specs=pl.BlockSpec((NT_POOL, HIDDEN), lambda n: (n, 0)),
        out_shape=jax.ShapeDtypeStruct((N_PAD, HIDDEN), jnp.float32),
    )(v, x, wbt, bb)


def _pool_body(x_ref, b_ref, t_ref, w1_ref, b1_ref, w2_ref, b2_ref,
               wr1_ref, br1_ref, wr2_ref, br2_ref, y_ref, pooled, counts):
    step = pl.program_id(0)

    @pl.when(step == 0)
    def _init():
        pooled[...] = jnp.zeros_like(pooled)
        counts[...] = jnp.zeros_like(counts)

    row_ids = jax.lax.broadcasted_iota(jnp.int32, (B, NT_POOL), 0)
    onehot = (row_ids == b_ref[...]).astype(jnp.float32)
    pooled[...] += jnp.dot(onehot, x_ref[...],
                           preferred_element_type=jnp.float32)
    counts[...] += jnp.sum(onehot, axis=1, keepdims=True)

    @pl.when(step == NN - 1)
    def _final():
        cnt = jnp.maximum(counts[...], 1.0)
        pm = pooled[...] / cnt
        fp = jnp.dot(t_ref[...], w1_ref[...],
                     preferred_element_type=jnp.float32) + b1_ref[...]
        fp = jnp.dot(_silu(fp), w2_ref[...],
                     preferred_element_type=jnp.float32) + b2_ref[...]
        g = fp[:, :HIDDEN]
        bt = fp[:, HIDDEN:]
        h = g * pm + bt
        h = _silu(jnp.dot(h, wr1_ref[...],
                          preferred_element_type=jnp.float32) + br1_ref[...])
        y_ref[...] = jnp.dot(h, wr2_ref[...],
                             preferred_element_type=jnp.float32) + br2_ref[...]


def _pool_call(x, batch2, T, w1t, b1, w2t, b2, wr1t, br1, wr2t, br2):
    zero2 = lambda n: (0, 0)
    return pl.pallas_call(
        _pool_body,
        grid=(NN,),
        in_specs=[
            pl.BlockSpec((NT_POOL, HIDDEN), lambda n: (n, 0)),
            pl.BlockSpec((1, NT_POOL), lambda n: (0, n)),
            pl.BlockSpec((B, 1), zero2),
            pl.BlockSpec((1, HIDDEN), zero2),
            pl.BlockSpec((1, HIDDEN), zero2),
            pl.BlockSpec((HIDDEN, 2 * HIDDEN), zero2),
            pl.BlockSpec((1, 2 * HIDDEN), zero2),
            pl.BlockSpec((HIDDEN, HIDDEN), zero2),
            pl.BlockSpec((1, HIDDEN), zero2),
            pl.BlockSpec((HIDDEN, 1), zero2),
            pl.BlockSpec((1, 1), zero2),
        ],
        out_specs=pl.BlockSpec((B, 1), zero2),
        out_shape=jax.ShapeDtypeStruct((B, 1), jnp.float32),
        scratch_shapes=[
            pltpu.VMEM((B, HIDDEN), jnp.float32),
            pltpu.VMEM((B, 1), jnp.float32),
        ],
    )(x, batch2, T, w1t, b1, w2t, b2, wr1t, br1, wr2t, br2)


@jax.jit
def _impl(z, pos, batch, T, emb, gamma, Wf1, bf1, Wf2, bf2, Wd, Wb, bb,
          Wfilm1, bfilm1, Wfilm2, bfilm2, Wr1, br1, Wr2, br2):
    batch = batch.astype(jnp.int32)
    batp = jnp.full((N_PAD, 1), B, jnp.int32).at[:N, 0].set(batch)
    posp = jnp.zeros((N_PAD, 8), jnp.float32).at[:N, :3].set(pos)
    x = jnp.zeros((N_PAD, HIDDEN), jnp.float32).at[:N].set(emb[z])
    cent = jnp.linspace(0.0, CUTOFF, N_RBF, dtype=jnp.float32)[None, :]

    bflat = batp[:, 0]
    first = bflat[0::TI]
    last = bflat[TI - 1::TI]
    lo_atom = jnp.searchsorted(bflat, first, side='left')
    hi_atom = jnp.searchsorted(bflat, last, side='right')
    jlo = (lo_atom // TJ).astype(jnp.int32)
    jhi = (-(-hi_atom // TJ)).astype(jnp.int32)
    bounds = jnp.stack([jlo, jhi], axis=0)

    for i in range(N_BLOCKS):
        v = _conv_call(bounds, gamma[i].reshape(1, 1), posp, batp, x, cent,
                       Wf1[i].T, bf1[i][None, :], Wf2[i].T, bf2[i][None, :],
                       Wd[i].T)
        x = _update_call(v, x, Wb[i].T, bb[i][None, :])

    batch2 = jnp.full((1, N_PAD), B, jnp.int32).at[0, :N].set(batch)
    y = _pool_call(x, batch2, T, Wfilm1.T, bfilm1[None, :], Wfilm2.T,
                   bfilm2[None, :], Wr1.T, br1[None, :], Wr2.T,
                   br2[None, :])
    return y[:, 0]


def kernel(z, pos, batch, T, emb, gamma, Wf1, bf1, Wf2, bf2, Wd, Wb, bb,
           Wfilm1, bfilm1, Wfilm2, bfilm2, Wr1, br1, Wr2, br2):
    return _impl(z, pos, batch, T, emb, gamma, Wf1, bf1, Wf2, bf2, Wd, Wb, bb,
                 Wfilm1, bfilm1, Wfilm2, bfilm2, Wr1, br1, Wr2, br2)

# --- scband reference (transcript-rebuilt; emitter-appended) ---
"""Pipeline reference for scband-sch-net-87230785782288 (READ-ONLY COPY).

The authoritative reference and input builder live on the scoring server;
editing this copy changes nothing except your own understanding.
"""

import jax, jax.numpy as jnp
import numpy as np

N = 10000
B = 200
HIDDEN = 128
N_RBF = 64
N_BLOCKS = 5
CUTOFF = 5.0
N_TYPES = 100
CENTERS = jnp.linspace(0.0, CUTOFF, N_RBF)
E_MAX = 2 * (N * N) // B
CHUNK = 1000


def _silu(x):
    return x * jax.nn.sigmoid(x)


def setup_inputs(seed: int = 0):
    key = jax.random.key(seed)
    ks = jax.random.split(key, 20)
    z = jax.random.randint(ks[0], (N,), 0, N_TYPES)
    pos = jax.random.uniform(ks[1], (N, 3), dtype=jnp.float32)
    batch = jnp.sort(jax.random.randint(ks[2], (N,), 0, B))
    T = jax.random.uniform(ks[3], (B, 1), dtype=jnp.float32)
    emb = jax.random.normal(ks[4], (N_TYPES, HIDDEN), dtype=jnp.float32)

    def u(k, shape, fan_in):
        b = 1.0 / np.sqrt(fan_in)
        return jax.random.uniform(k, shape, minval=-b, maxval=b, dtype=jnp.float32)

    return {
        'z': z, 'pos': pos, 'batch': batch, 'T': T, 'emb': emb,
        'gamma': jnp.full((N_BLOCKS,), 10.0, dtype=jnp.float32),
        'Wf1': u(ks[5], (N_BLOCKS, HIDDEN, N_RBF), N_RBF),
        'bf1': u(ks[6], (N_BLOCKS, HIDDEN), N_RBF),
        'Wf2': u(ks[7], (N_BLOCKS, HIDDEN, HIDDEN), HIDDEN),
        'bf2': u(ks[8], (N_BLOCKS, HIDDEN), HIDDEN),
        'Wd': u(ks[9], (N_BLOCKS, HIDDEN, HIDDEN), HIDDEN),
        'Wb': u(ks[10], (N_BLOCKS, HIDDEN, HIDDEN), HIDDEN),
        'bb': u(ks[11], (N_BLOCKS, HIDDEN), HIDDEN),
        'Wfilm1': u(ks[12], (HIDDEN, 1), 1),
        'bfilm1': u(ks[13], (HIDDEN,), 1),
        'Wfilm2': u(ks[14], (2 * HIDDEN, HIDDEN), HIDDEN),
        'bfilm2': u(ks[15], (2 * HIDDEN,), HIDDEN),
        'Wr1': u(ks[16], (HIDDEN, HIDDEN), HIDDEN),
        'br1': u(ks[17], (HIDDEN,), HIDDEN),
        'Wr2': u(ks[18], (1, HIDDEN), HIDDEN),
        'br2': u(ks[19], (1,), HIDDEN),
    }


def _neighbor_graph(pos, batch):
    n = pos.shape[0]
    n_chunks = n // CHUNK

    def _chunk_mask(args):
        pb, bb = args
        diff = pb[:, None, :] - pos[None, :, :]
        dist = jnp.sqrt(jnp.sum(diff * diff, axis=-1))
        return (dist > 0.0) & (dist <= CUTOFF) & (bb[:, None] == batch[None, :])

    mask = jax.lax.map(
        _chunk_mask,
        (pos.reshape(n_chunks, CHUNK, 3), batch.reshape(n_chunks, CHUNK)),
    ).reshape(n, n)
    src, dst = jnp.nonzero(mask, size=E_MAX, fill_value=0)
    diff_e = pos[src] - pos[dst]
    d = jnp.sqrt(jnp.sum(diff_e * diff_e, axis=-1))
    valid = mask[src, dst]
    return src, dst, d, valid


def _net(x, src, dst, d, valid, batch, Bn, T, gamma, Wf1, bf1, Wf2, bf2, Wd, Wb, bb, Wfilm1, bfilm1, Wfilm2, bfilm2, Wr1, br1, Wr2, br2):
    xc = jnp.clip(d / CUTOFF, 0.0, 1.0)
    C = (0.5 * (jnp.cos(jnp.pi * xc) + 1.0) * (xc < 1.0).astype(jnp.float32))[:, None]
    vmask = valid.astype(jnp.float32)[:, None]
    for i in range(N_BLOCKS):
        rbf = jnp.exp(-gamma[i] * (d[:, None] - CENTERS) ** 2)
        W = (_silu(rbf @ Wf1[i].T + bf1[i]) @ Wf2[i].T + bf2[i]) * C
        m = (x[src] @ Wd[i].T) * W * vmask
        v = jnp.zeros_like(x).at[dst].add(m)
        x = x + (_silu(v) @ Wb[i].T + bb[i])
    pooled = jnp.zeros((Bn, x.shape[-1]), dtype=x.dtype).at[batch].add(x)
    counts = jnp.maximum(jnp.bincount(batch, length=Bn), 1).astype(x.dtype)[:, None]
    pooled = pooled / counts
    fp = _silu(T @ Wfilm1.T + bfilm1) @ Wfilm2.T + bfilm2
    g, bt = jnp.split(fp, 2, axis=-1)
    h = g * pooled + bt
    y = _silu(h @ Wr1.T + br1) @ Wr2.T + br2
    return y.squeeze(-1)


def reference(z, pos, batch, T, emb, gamma, Wf1, bf1, Wf2, bf2, Wd, Wb, bb, Wfilm1, bfilm1, Wfilm2, bfilm2, Wr1, br1, Wr2, br2):
    src, dst, d, valid = _neighbor_graph(pos, batch)
    Bn = B
    x = emb[z]
    return _net(x, src, dst, d, valid, batch, Bn, T, gamma, Wf1, bf1, Wf2, bf2, Wd, Wb, bb, Wfilm1, bfilm1, Wfilm2, bfilm2, Wr1, br1, Wr2, br2)

if __name__ == "__main__":
    import jax
    _d = setup_inputs()
    print(jax.jit(kernel)(*tuple(_d.values())))

</pallas_src>

<mosaic_0001>
module attributes {stable_mosaic.version = 14 : i64} {
  func.func @_conv_body(%arg0: i32, %arg1: memref<2x1280xi32, #tpu.memory_space<smem>>, %arg2: memref<1x1xf32, #tpu.memory_space<smem>>, %arg3: memref<10240x8xf32, #tpu.memory_space<vmem>>, %arg4: memref<10240x1xi32, #tpu.memory_space<vmem>>, %arg5: memref<10240x128xf32, #tpu.memory_space<vmem>>, %arg6: memref<1x64xf32, #tpu.memory_space<vmem>>, %arg7: memref<64x128xf32, #tpu.memory_space<vmem>>, %arg8: memref<1x128xf32, #tpu.memory_space<vmem>>, %arg9: memref<128x128xf32, #tpu.memory_space<vmem>>, %arg10: memref<1x128xf32, #tpu.memory_space<vmem>>, %arg11: memref<128x128xf32, #tpu.memory_space<vmem>>, %arg12: memref<8x128xf32, #tpu.memory_space<vmem>>, %arg13: memref<8x128xf32, #tpu.memory_space<vmem>>, %arg14: memref<1024x1xf32, #tpu.memory_space<vmem>>, %arg15: memref<1024x1xf32, #tpu.memory_space<vmem>>) attributes {dimension_semantics = [#tpu.dimension_semantics<arbitrary>], iteration_bounds = array<i64: 1280>, scalar_prefetch = 0 : i64, scratch_operands = 3 : i64, tpu.core_type = #tpu.core_type<tc>, window_params = [{transform_indices = @transform_0, window_bounds = array<i64: 2, 1280>}, {transform_indices = @transform_1, window_bounds = array<i64: 1, 1>}, {pipeline_mode = #tpu.pipeline_mode<synchronous>, transform_indices = @transform_2, window_bounds = array<i64: 10240, 8>}, {pipeline_mode = #tpu.pipeline_mode<synchronous>, transform_indices = @transform_3, window_bounds = array<i64: 10240, 1>}, {pipeline_mode = #tpu.pipeline_mode<synchronous>, transform_indices = @transform_4, window_bounds = array<i64: 10240, 128>}, {pipeline_mode = #tpu.pipeline_mode<synchronous>, transform_indices = @transform_5, window_bounds = array<i64: 1, 64>}, {pipeline_mode = #tpu.pipeline_mode<synchronous>, transform_indices = @transform_6, window_bounds = array<i64: 64, 128>}, {pipeline_mode = #tpu.pipeline_mode<synchronous>, transform_indices = @transform_7, window_bounds = array<i64: 1, 128>}, {pipeline_mode = #tpu.pipeline_mode<synchronous>, transform_indices = @transform_8, window_bounds = array<i64: 128, 128>}, {pipeline_mode = #tpu.pipeline_mode<synchronous>, transform_indices = @transform_9, window_bounds = array<i64: 1, 128>}, {pipeline_mode = #tpu.pipeline_mode<synchronous>, transform_indices = @transform_10, window_bounds = array<i64: 128, 128>}, {transform_indices = @transform_11, window_bounds = array<i64: 8, 128>}]} {
    %mul3A = arith.constant 8 : i32
    %mul3A_0 = arith.muli %arg0, %mul3A : i32
    %get3A = arith.constant 0 : index
    %get3A_1 = arith.index_cast %arg0 : i32 to index
    %get3A_2 = memref.load %arg1[%get3A, %get3A_1] : memref<2x1280xi32, #tpu.memory_space<smem>>
    %get3A_3 = arith.constant 1 : index
    %get3A_4 = arith.index_cast %arg0 : i32 to index
    %get3A_5 = memref.load %arg1[%get3A_3, %get3A_4] : memref<2x1280xi32, #tpu.memory_space<smem>>
    %get3A_6 = arith.constant 0 : index
    %get3A_7 = arith.constant 0 : index
    %get3A_8 = memref.load %arg2[%get3A_6, %get3A_7] : memref<1x1xf32, #tpu.memory_space<smem>>
    %broadcast_in_dim3A = arith.constant 0.000000e+00 : f32
    %broadcast_in_dim3A_9 = vector.broadcast %broadcast_in_dim3A : f32 to vector<8x128xf32>
    %swap3A = arith.constant 0 : index
    %swap3A_10 = arith.constant 0 : index
    %swap3A_11 = vector.load %arg13[%swap3A, %swap3A_10] : memref<8x128xf32, #tpu.memory_space<vmem>>, vector<8x128xf32>
    tpu.vector_store %arg13[%swap3A, %swap3A_10], %broadcast_in_dim3A_9 {strides = array<i32>} : memref<8x128xf32, #tpu.memory_space<vmem>>, vector<8x128xf32>,
    %get3A_12 = arith.constant 0 : index
    %get3A_13 = arith.constant 0 : index
    %get3A_14 = vector.load %arg6[%get3A_12, %get3A_13] : memref<1x64xf32, #tpu.memory_space<vmem>>, vector<1x64xf32>
    %while3A = arith.constant 0 : i32
    %while3A_15 = arith.subi %get3A_5, %get3A_2 : i32
    %while3A_16 = arith.addi %get3A_2, %while3A_15 : i32
    %while3A_17 = arith.constant 1 : i32
    %while3A_18 = arith.divsi %while3A_15, %while3A_17 : i32
    %while3A_19 = arith.muli %while3A_18, %while3A_17 : i32
    %while3A_20 = arith.addi %get3A_2, %while3A_19 : i32
    %while3A_21 = arith.constant 1 : i32
    scf.for %while3A_29 = %get3A_2 to %while3A_20 step %while3A_21  : i32 {
      %mul3A_30 = arith.constant 128 : i32
      %mul3A_31 = arith.muli %while3A_29, %mul3A_30 : i32
      %get3A_32 = arith.index_cast %mul3A_31 : i32 to index
      %get3A_33 = arith.constant 0 : index
      %get3A_34 = vector.load %arg3[%get3A_32, %get3A_33] : memref<10240x8xf32, #tpu.memory_space<vmem>>, vector<128x8xf32>
      %get3A_35 = arith.index_cast %mul3A_31 : i32 to index
      %get3A_36 = arith.constant 0 : index
      %get3A_37 = vector.load %arg4[%get3A_35, %get3A_36] : memref<10240x1xi32, #tpu.memory_space<vmem>>, vector<128x1xi32>
      %get3A_38 = arith.index_cast %mul3A_31 : i32 to index
      %get3A_39 = arith.constant 0 : index
      %get3A_40 = vector.load %arg5[%get3A_38, %get3A_39] : memref<10240x128xf32, #tpu.memory_space<vmem>>, vector<128x128xf32>
      %get3A_41 = arith.constant 0 : index
      %get3A_42 = arith.constant 0 : index
      %get3A_43 = vector.load %arg11[%get3A_41, %get3A_42] : memref<128x128xf32, #tpu.memory_space<vmem>>, vector<128x128xf32>
      %dot_general3A = arith.constant dense<0.000000e+00> : vector<128x128xf32>
      %dot_general3A_44 = tpu.matmul %get3A_40, %get3A_43, %dot_general3A {dimension_numbers = #tpu.dot_dimension_numbers<[1], [0], [0], [1], [0, 0, 1, 1], [], []>, transpose_lhs_hint = false} : vector<128x128xf32>, vector<128x128xf32>, vector<128x128xf32> -> vector<128x128xf32>
      %add3A = arith.constant 0 : i32
      %add3A_45 = arith.addi %mul3A_0, %add3A : i32
      %get3A_46 = arith.index_cast %add3A_45 : i32 to index
      %get3A_47 = arith.constant 0 : index
      %get3A_48 = vector.load %arg3[%get3A_46, %get3A_47] : memref<10240x8xf32, #tpu.memory_space<vmem>>, vector<1x8xf32>
      %add3A_49 = arith.constant 0 : i32
      %add3A_50 = arith.addi %mul3A_0, %add3A_49 : i32
      %get3A_51 = arith.index_cast %add3A_50 : i32 to index
      %get3A_52 = arith.constant 0 : index
      %get3A_53 = vector.load %arg4[%get3A_51, %get3A_52] : memref<10240x1xi32, #tpu.memory_space<vmem>>, vector<1x1xi32>
      %sub3A = vector.broadcast %get3A_48 : vector<1x8xf32> to vector<128x8xf32>
      %sub3A_54 = arith.subf %get3A_34, %sub3A : vector<128x8xf32>
      %mul3A_55 = arith.mulf %sub3A_54, %sub3A_54 : vector<128x8xf32>
      %reduce_sum3A = arith.constant dense<0.000000e+00> : vector<128xf32>
      %reduce_sum3A_56 = vector.multi_reduction <add>, %mul3A_55, %reduce_sum3A [1] : vector<128x8xf32> to vector<128xf32>
      %broadcast_in_dim3A_57 = vector.shape_cast %reduce_sum3A_56 : vector<128xf32> to vector<128x1xf32>
      %sqrt3A = math.sqrt %broadcast_in_dim3A_57 : vector<128x1xf32>
      %div3A = arith.constant 5.000000e+00 : f32
      %div3A_58 = vector.broadcast %div3A : f32 to vector<128x1xf32>
      %div3A_59 = arith.divf %sqrt3A, %div3A_58 : vector<128x1xf32>
      %jit3A = arith.constant 0.000000e+00 : f32
      %jit3A_60 = arith.constant 1.000000e+00 : f32
      %max3A = vector.broadcast %jit3A : f32 to vector<128x1xf32>
      %max3A_61 = arith.maximumf %max3A, %div3A_59 : vector<128x1xf32>
      %min3A = vector.broadcast %jit3A_60 : f32 to vector<128x1xf32>
      %min3A_62 = arith.minimumf %min3A, %max3A_61 : vector<128x1xf32>
      %mul3A_63 = arith.constant 3.14159274 : f32
      %mul3A_64 = vector.broadcast %mul3A_63 : f32 to vector<128x1xf32>
      %mul3A_65 = arith.mulf %mul3A_64, %min3A_62 : vector<128x1xf32>
      %cos3A = math.cos %mul3A_65 : vector<128x1xf32>
      %add3A_66 = arith.constant 1.000000e+00 : f32
      %add3A_67 = vector.broadcast %add3A_66 : f32 to vector<128x1xf32>
      %add3A_68 = arith.addf %cos3A, %add3A_67 : vector<128x1xf32>
      %mul3A_69 = arith.constant 5.000000e-01 : f32
      %mul3A_70 = vector.broadcast %mul3A_69 : f32 to vector<128x1xf32>
      %mul3A_71 = arith.mulf %mul3A_70, %add3A_68 : vector<128x1xf32>
      %lt3A = arith.constant 1.000000e+00 : f32
      %lt3A_72 = vector.broadcast %lt3A : f32 to vector<128x1xf32>
      %lt3A_73 = arith.cmpf olt, %min3A_62, %lt3A_72 : vector<128x1xf32>
      %convert_element_type3A = arith.extui %lt3A_73 : vector<128x1xi1> to vector<128x1xi32>
      %convert_element_type3A_74 = arith.sitofp %convert_element_type3A : vector<128x1xi32> to vector<128x1xf32>
      %mul3A_75 = arith.mulf %mul3A_71, %convert_element_type3A_74 : vector<128x1xf32>
      %gt3A = arith.constant 0.000000e+00 : f32
      %gt3A_76 = vector.broadcast %gt3A : f32 to vector<128x1xf32>
      %gt3A_77 = arith.cmpf ogt, %sqrt3A, %gt3A_76 : vector<128x1xf32>
      %le3A = arith.constant 5.000000e+00 : f32
      %le3A_78 = vector.broadcast %le3A : f32 to vector<128x1xf32>
      %le3A_79 = arith.cmpf ole, %sqrt3A, %le3A_78 : vector<128x1xf32>
      %and3A = arith.andi %gt3A_77, %le3A_79 : vector<128x1xi1>
      %eq3A = vector.broadcast %get3A_53 : vector<1x1xi32> to vector<128x1xi32>
      %eq3A_80 = arith.cmpi eq, %get3A_37, %eq3A : vector<128x1xi32>
      %and3A_81 = arith.andi %and3A, %eq3A_80 : vector<128x1xi1>
      %convert_element_type3A_82 = arith.extui %and3A_81 : vector<128x1xi1> to vector<128x1xi32>
      %convert_element_type3A_83 = arith.sitofp %convert_element_type3A_82 : vector<128x1xi32> to vector<128x1xf32>
      %swap3A_84 = arith.constant 0 : index
      %swap3A_85 = arith.constant 0 : index
      %swap3A_86 = vector.load %arg14[%swap3A_84, %swap3A_85] : memref<1024x1xf32, #tpu.memory_space<vmem>>, vector<128x1xf32>
      tpu.vector_store %arg14[%swap3A_84, %swap3A_85], %sqrt3A {strides = array<i32>} : memref<1024x1xf32, #tpu.memory_space<vmem>>, vector<128x1xf32>,
      %mul3A_87 = arith.mulf %mul3A_75, %convert_element_type3A_83 : vector<128x1xf32>
      %swap3A_88 = arith.constant 0 : index
      %swap3A_89 = arith.constant 0 : index
      %swap3A_90 = vector.load %arg15[%swap3A_88, %swap3A_89] : memref<1024x1xf32, #tpu.memory_space<vmem>>, vector<128x1xf32>
      tpu.vector_store %arg15[%swap3A_88, %swap3A_89], %mul3A_87 {strides = array<i32>} : memref<1024x1xf32, #tpu.memory_space<vmem>>, vector<128x1xf32>,
      %add3A_91 = arith.constant 1 : i32
      %add3A_92 = arith.addi %mul3A_0, %add3A_91 : i32
      %get3A_93 = arith.index_cast %add3A_92 : i32 to index
      %get3A_94 = arith.constant 0 : index
      %get3A_95 = vector.load %arg3[%get3A_93, %get3A_94] : memref<10240x8xf32, #tpu.memory_space<vmem>>, vector<1x8xf32>
      %add3A_96 = arith.constant 1 : i32
      %add3A_97 = arith.addi %mul3A_0, %add3A_96 : i32
      %get3A_98 = arith.index_cast %add3A_97 : i32 to index
      %get3A_99 = arith.constant 0 : index
      %get3A_100 = vector.load %arg4[%get3A_98, %get3A_99] : memref<10240x1xi32, #tpu.memory_space<vmem>>, vector<1x1xi32>
      %sub3A_101 = vector.broadcast %get3A_95 : vector<1x8xf32> to vector<128x8xf32>
      %sub3A_102 = arith.subf %get3A_34, %sub3A_101 : vector<128x8xf32>
      %mul3A_103 = arith.mulf %sub3A_102, %sub3A_102 : vector<128x8xf32>
      %reduce_sum3A_104 = arith.constant dense<0.000000e+00> : vector<128xf32>
      %reduce_sum3A_105 = vector.multi_reduction <add>, %mul3A_103, %reduce_sum3A_104 [1] : vector<128x8xf32> to vector<128xf32>
      %broadcast_in_dim3A_106 = vector.shape_cast %reduce_sum3A_105 : vector<128xf32> to vector<128x1xf32>
      %sqrt3A_107 = math.sqrt %broadcast_in_dim3A_106 : vector<128x1xf32>
      %div3A_108 = arith.constant 5.000000e+00 : f32
      %div3A_109 = vector.broadcast %div3A_108 : f32 to vector<128x1xf32>
      %div3A_110 = arith.divf %sqrt3A_107, %div3A_109 : vector<128x1xf32>
      %jit3A_111 = arith.constant 0.000000e+00 : f32
      %jit3A_112 = arith.constant 1.000000e+00 : f32
      %max3A_113 = vector.broadcast %jit3A_111 : f32 to vector<128x1xf32>
      %max3A_114 = arith.maximumf %max3A_113, %div3A_110 : vector<128x1xf32>
      %min3A_115 = vector.broadcast %jit3A_112 : f32 to vector<128x1xf32>
      %min3A_116 = arith.minimumf %min3A_115, %max3A_114 : vector<128x1xf32>
      %mul3A_117 = arith.constant 3.14159274 : f32
      %mul3A_118 = vector.broadcast %mul3A_117 : f32 to vector<128x1xf32>
      %mul3A_119 = arith.mulf %mul3A_118, %min3A_116 : vector<128x1xf32>
      %cos3A_120 = math.cos %mul3A_119 : vector<128x1xf32>
      %add3A_121 = arith.constant 1.000000e+00 : f32
      %add3A_122 = vector.broadcast %add3A_121 : f32 to vector<128x1xf32>
      %add3A_123 = arith.addf %cos3A_120, %add3A_122 : vector<128x1xf32>
      %mul3A_124 = arith.constant 5.000000e-01 : f32
      %mul3A_125 = vector.broadcast %mul3A_124 : f32 to vector<128x1xf32>
      %mul3A_126 = arith.mulf %mul3A_125, %add3A_123 : vector<128x1xf32>
      %lt3A_127 = arith.constant 1.000000e+00 : f32
      %lt3A_128 = vector.broadcast %lt3A_127 : f32 to vector<128x1xf32>
      %lt3A_129 = arith.cmpf olt, %min3A_116, %lt3A_128 : vector<128x1xf32>
      %convert_element_type3A_130 = arith.extui %lt3A_129 : vector<128x1xi1> to vector<128x1xi32>
      %convert_element_type3A_131 = arith.sitofp %convert_element_type3A_130 : vector<128x1xi32> to vector<128x1xf32>
      %mul3A_132 = arith.mulf %mul3A_126, %convert_element_type3A_131 : vector<128x1xf32>
      %gt3A_133 = arith.constant 0.000000e+00 : f32
      %gt3A_134 = vector.broadcast %gt3A_133 : f32 to vector<128x1xf32>
      %gt3A_135 = arith.cmpf ogt, %sqrt3A_107, %gt3A_134 : vector<128x1xf32>
      %le3A_136 = arith.constant 5.000000e+00 : f32
      %le3A_137 = vector.broadcast %le3A_136 : f32 to vector<128x1xf32>
      %le3A_138 = arith.cmpf ole, %sqrt3A_107, %le3A_137 : vector<128x1xf32>
      %and3A_139 = arith.andi %gt3A_135, %le3A_138 : vector<128x1xi1>
      %eq3A_140 = vector.broadcast %get3A_100 : vector<1x1xi32> to vector<128x1xi32>
      %eq3A_141 = arith.cmpi eq, %get3A_37, %eq3A_140 : vector<128x1xi32>
      %and3A_142 = arith.andi %and3A_139, %eq3A_141 : vector<128x1xi1>
      %convert_element_type3A_143 = arith.extui %and3A_142 : vector<128x1xi1> to vector<128x1xi32>
      %convert_element_type3A_144 = arith.sitofp %convert_element_type3A_143 : vector<128x1xi32> to vector<128x1xf32>
      %swap3A_145 = arith.constant 128 : index
      %swap3A_146 = arith.constant 0 : index
      %swap3A_147 = vector.load %arg14[%swap3A_145, %swap3A_146] : memref<1024x1xf32, #tpu.memory_space<vmem>>, vector<128x1xf32>
      tpu.vector_store %arg14[%swap3A_145, %swap3A_146], %sqrt3A_107 {strides = array<i32>} : memref<1024x1xf32, #tpu.memory_space<vmem>>, vector<128x1xf32>,
      %mul3A_148 = arith.mulf %mul3A_132, %convert_element_type3A_144 : vector<128x1xf32>
      %swap3A_149 = arith.constant 128 : index
      %swap3A_150 = arith.constant 0 : index
      %swap3A_151 = vector.load %arg15[%swap3A_149, %swap3A_150] : memref<1024x1xf32, #tpu.memory_space<vmem>>, vector<128x1xf32>
      tpu.vector_store %arg15[%swap3A_149, %swap3A_150], %mul3A_148 {strides = array<i32>} : memref<1024x1xf32, #tpu.memory_space<vmem>>, vector<128x1xf32>,
      %add3A_152 = arith.constant 2 : i32
      %add3A_153 = arith.addi %mul3A_0, %add3A_152 : i32
      %get3A_154 = arith.index_cast %add3A_153 : i32 to index
      %get3A_155 = arith.constant 0 : index
      %get3A_156 = vector.load %arg3[%get3A_154, %get3A_155] : memref<10240x8xf32, #tpu.memory_space<vmem>>, vector<1x8xf32>
      %add3A_157 = arith.constant 2 : i32
      %add3A_158 = arith.addi %mul3A_0, %add3A_157 : i32
      %get3A_159 = arith.index_cast %add3A_158 : i32 to index
      %get3A_160 = arith.constant 0 : index
      %get3A_161 = vector.load %arg4[%get3A_159, %get3A_160] : memref<10240x1xi32, #tpu.memory_space<vmem>>, vector<1x1xi32>
      %sub3A_162 = vector.broadcast %get3A_156 : vector<1x8xf32> to vector<128x8xf32>
      %sub3A_163 = arith.subf %get3A_34, %sub3A_162 : vector<128x8xf32>
      %mul3A_164 = arith.mulf %sub3A_163, %sub3A_163 : vector<128x8xf32>
      %reduce_sum3A_165 = arith.constant dense<0.000000e+00> : vector<128xf32>
      %reduce_sum3A_166 = vector.multi_reduction <add>, %mul3A_164, %reduce_sum3A_165 [1] : vector<128x8xf32> to vector<128xf32>
      %broadcast_in_dim3A_167 = vector.shape_cast %reduce_sum3A_166 : vector<128xf32> to vector<128x1xf32>
      %sqrt3A_168 = math.sqrt %broadcast_in_dim3A_167 : vector<128x1xf32>
      %div3A_169 = arith.constant 5.000000e+00 : f32
      %div3A_170 = vector.broadcast %div3A_169 : f32 to vector<128x1xf32>
      %div3A_171 = arith.divf %sqrt3A_168, %div3A_170 : vector<128x1xf32>
      %jit3A_172 = arith.constant 0.000000e+00 : f32
      %jit3A_173 = arith.constant 1.000000e+00 : f32
      %max3A_174 = vector.broadcast %jit3A_172 : f32 to vector<128x1xf32>
      %max3A_175 = arith.maximumf %max3A_174, %div3A_171 : vector<128x1xf32>
      %min3A_176 = vector.broadcast %jit3A_173 : f32 to vector<128x1xf32>
      %min3A_177 = arith.minimumf %min3A_176, %max3A_175 : vector<128x1xf32>
      %mul3A_178 = arith.constant 3.14159274 : f32
      %mul3A_179 = vector.broadcast %mul3A_178 : f32 to vector<128x1xf32>
      %mul3A_180 = arith.mulf %mul3A_179, %min3A_177 : vector<128x1xf32>
      %cos3A_181 = math.cos %mul3A_180 : vector<128x1xf32>
      %add3A_182 = arith.constant 1.000000e+00 : f32
      %add3A_183 = vector.broadcast %add3A_182 : f32 to vector<128x1xf32>
      %add3A_184 = arith.addf %cos3A_181, %add3A_183 : vector<128x1xf32>
      %mul3A_185 = arith.constant 5.000000e-01 : f32
      %mul3A_186 = vector.broadcast %mul3A_185 : f32 to vector<128x1xf32>
      %mul3A_187 = arith.mulf %mul3A_186, %add3A_184 : vector<128x1xf32>
      %lt3A_188 = arith.constant 1.000000e+00 : f32
      %lt3A_189 = vector.broadcast %lt3A_188 : f32 to vector<128x1xf32>
      %lt3A_190 = arith.cmpf olt, %min3A_177, %lt3A_189 : vector<128x1xf32>
      %convert_element_type3A_191 = arith.extui %lt3A_190 : vector<128x1xi1> to vector<128x1xi32>
      %convert_element_type3A_192 = arith.sitofp %convert_element_type3A_191 : vector<128x1xi32> to vector<128x1xf32>
      %mul3A_193 = arith.mulf %mul3A_187, %convert_element_type3A_192 : vector<128x1xf32>
      %gt3A_194 = arith.constant 0.000000e+00 : f32
      %gt3A_195 = vector.broadcast %gt3A_194 : f32 to vector<128x1xf32>
      %gt3A_196 = arith.cmpf ogt, %sqrt3A_168, %gt3A_195 : vector<128x1xf32>
      %le3A_197 = arith.constant 5.000000e+00 : f32
      %le3A_198 = vector.broadcast %le3A_197 : f32 to vector<128x1xf32>
      %le3A_199 = arith.cmpf ole, %sqrt3A_168, %le3A_198 : vector<128x1xf32>
      %and3A_200 = arith.andi %gt3A_196, %le3A_199 : vector<128x1xi1>
      %eq3A_201 = vector.broadcast %get3A_161 : vector<1x1xi32> to vector<128x1xi32>
      %eq3A_202 = arith.cmpi eq, %get3A_37, %eq3A_201 : vector<128x1xi32>
      %and3A_203 = arith.andi %and3A_200, %eq3A_202 : vector<128x1xi1>
      %convert_element_type3A_204 = arith.extui %and3A_203 : vector<128x1xi1> to vector<128x1xi32>
      %convert_element_type3A_205 = arith.sitofp %convert_element_type3A_204 : vector<128x1xi32> to vector<128x1xf32>
      %swap3A_206 = arith.constant 256 : index
      %swap3A_207 = arith.constant 0 : index
      %swap3A_208 = vector.load %arg14[%swap3A_206, %swap3A_207] : memref<1024x1xf32, #tpu.memory_space<vmem>>, vector<128x1xf32>
      tpu.vector_store %arg14[%swap3A_206, %swap3A_207], %sqrt3A_168 {strides = array<i32>} : memref<1024x1xf32, #tpu.memory_space<vmem>>, vector<128x1xf32>,
      %mul3A_209 = arith.mulf %mul3A_193, %convert_element_type3A_205 : vector<128x1xf32>
      %swap3A_210 = arith.constant 256 : index
      %swap3A_211 = arith.constant 0 : index
      %swap3A_212 = vector.load %arg15[%swap3A_210, %swap3A_211] : memref<1024x1xf32, #tpu.memory_space<vmem>>, vector<128x1xf32>
      tpu.vector_store %arg15[%swap3A_210, %swap3A_211], %mul3A_209 {strides = array<i32>} : memref<1024x1xf32, #tpu.memory_space<vmem>>, vector<128x1xf32>,
      %add3A_213 = arith.constant 3 : i32
      %add3A_214 = arith.addi %mul3A_0, %add3A_213 : i32
      %get3A_215 = arith.index_cast %add3A_214 : i32 to index
      %get3A_216 = arith.constant 0 : index
      %get3A_217 = vector.load %arg3[%get3A_215, %get3A_216] : memref<10240x8xf32, #tpu.memory_space<vmem>>, vector<1x8xf32>
      %add3A_218 = arith.constant 3 : i32
      %add3A_219 = arith.addi %mul3A_0, %add3A_218 : i32
      %get3A_220 = arith.index_cast %add3A_219 : i32 to index
      %get3A_221 = arith.constant 0 : index
      %get3A_222 = vector.load %arg4[%get3A_220, %get3A_221] : memref<10240x1xi32, #tpu.memory_space<vmem>>, vector<1x1xi32>
      %sub3A_223 = vector.broadcast %get3A_217 : vector<1x8xf32> to vector<128x8xf32>
      %sub3A_224 = arith.subf %get3A_34, %sub3A_223 : vector<128x8xf32>
      %mul3A_225 = arith.mulf %sub3A_224, %sub3A_224 : vector<128x8xf32>
      %reduce_sum3A_226 = arith.constant dense<0.000000e+00> : vector<128xf32>
      %reduce_sum3A_227 = vector.multi_reduction <add>, %mul3A_225, %reduce_sum3A_226 [1] : vector<128x8xf32> to vector<128xf32>
      %broadcast_in_dim3A_228 = vector.shape_cast %reduce_sum3A_227 : vector<128xf32> to vector<128x1xf32>
      %sqrt3A_229 = math.sqrt %broadcast_in_dim3A_228 : vector<128x1xf32>
      %div3A_230 = arith.constant 5.000000e+00 : f32
      %div3A_231 = vector.broadcast %div3A_230 : f32 to vector<128x1xf32>
      %div3A_232 = arith.divf %sqrt3A_229, %div3A_231 : vector<128x1xf32>
      %jit3A_233 = arith.constant 0.000000e+00 : f32
      %jit3A_234 = arith.constant 1.000000e+00 : f32
      %max3A_235 = vector.broadcast %jit3A_233 : f32 to vector<128x1xf32>
      %max3A_236 = arith.maximumf %max3A_235, %div3A_232 : vector<128x1xf32>
      %min3A_237 = vector.broadcast %jit3A_234 : f32 to vector<128x1xf32>
      %min3A_238 = arith.minimumf %min3A_237, %max3A_236 : vector<128x1xf32>
      %mul3A_239 = arith.constant 3.14159274 : f32
      %mul3A_240 = vector.broadcast %mul3A_239 : f32 to vector<128x1xf32>
      %mul3A_241 = arith.mulf %mul3A_240, %min3A_238 : vector<128x1xf32>
      %cos3A_242 = math.cos %mul3A_241 : vector<128x1xf32>
      %add3A_243 = arith.constant 1.000000e+00 : f32
      %add3A_244 = vector.broadcast %add3A_243 : f32 to vector<128x1xf32>
      %add3A_245 = arith.addf %cos3A_242, %add3A_244 : vector<128x1xf32>
      %mul3A_246 = arith.constant 5.000000e-01 : f32
      %mul3A_247 = vector.broadcast %mul3A_246 : f32 to vector<128x1xf32>
      %mul3A_248 = arith.mulf %mul3A_247, %add3A_245 : vector<128x1xf32>
      %lt3A_249 = arith.constant 1.000000e+00 : f32
      %lt3A_250 = vector.broadcast %lt3A_249 : f32 to vector<128x1xf32>
      %lt3A_251 = arith.cmpf olt, %min3A_238, %lt3A_250 : vector<128x1xf32>
      %convert_element_type3A_252 = arith.extui %lt3A_251 : vector<128x1xi1> to vector<128x1xi32>
      %convert_element_type3A_253 = arith.sitofp %convert_element_type3A_252 : vector<128x1xi32> to vector<128x1xf32>
      %mul3A_254 = arith.mulf %mul3A_248, %convert_element_type3A_253 : vector<128x1xf32>
      %gt3A_255 = arith.constant 0.000000e+00 : f32
      %gt3A_256 = vector.broadcast %gt3A_255 : f32 to vector<128x1xf32>
      %gt3A_257 = arith.cmpf ogt, %sqrt3A_229, %gt3A_256 : vector<128x1xf32>
      %le3A_258 = arith.constant 5.000000e+00 : f32
      %le3A_259 = vector.broadcast %le3A_258 : f32 to vector<128x1xf32>
      %le3A_260 = arith.cmpf ole, %sqrt3A_229, %le3A_259 : vector<128x1xf32>
      %and3A_261 = arith.andi %gt3A_257, %le3A_260 : vector<128x1xi1>
      %eq3A_262 = vector.broadcast %get3A_222 : vector<1x1xi32> to vector<128x1xi32>
      %eq3A_263 = arith.cmpi eq, %get3A_37, %eq3A_262 : vector<128x1xi32>
      %and3A_264 = arith.andi %and3A_261, %eq3A_263 : vector<128x1xi1>
      %convert_element_type3A_265 = arith.extui %and3A_264 : vector<128x1xi1> to vector<128x1xi32>
      %convert_element_type3A_266 = arith.sitofp %convert_element_type3A_265 : vector<128x1xi32> to vector<128x1xf32>
      %swap3A_267 = arith.constant 384 : index
      %swap3A_268 = arith.constant 0 : index
      %swap3A_269 = vector.load %arg14[%swap3A_267, %swap3A_268] : memref<1024x1xf32, #tpu.memory_space<vmem>>, vector<128x1xf32>
      tpu.vector_store %arg14[%swap3A_267, %swap3A_268], %sqrt3A_229 {strides = array<i32>} : memref<1024x1xf32, #tpu.memory_space<vmem>>, vector<128x1xf32>,
      %mul3A_270 = arith.mulf %mul3A_254, %convert_element_type3A_266 : vector<128x1xf32>
      %swap3A_271 = arith.constant 384 : index
      %swap3A_272 = arith.constant 0 : index
      %swap3A_273 = vector.load %arg15[%swap3A_271, %swap3A_272] : memref<1024x1xf32, #tpu.memory_space<vmem>>, vector<128x1xf32>
      tpu.vector_store %arg15[%swap3A_271, %swap3A_272], %mul3A_270 {strides = array<i32>} : memref<1024x1xf32, #tpu.memory_space<vmem>>, vector<128x1xf32>,
      %add3A_274 = arith.constant 4 : i32
      %add3A_275 = arith.addi %mul3A_0, %add3A_274 : i32
      %get3A_276 = arith.index_cast %add3A_275 : i32 to index
      %get3A_277 = arith.constant 0 : index
      %get3A_278 = vector.load %arg3[%get3A_276, %get3A_277] : memref<10240x8xf32, #tpu.memory_space<vmem>>, vector<1x8xf32>
      %add3A_279 = arith.constant 4 : i32
      %add3A_280 = arith.addi %mul3A_0, %add3A_279 : i32
      %get3A_281 = arith.index_cast %add3A_280 : i32 to index
      %get3A_282 = arith.constant 0 : index
      %get3A_283 = vector.load %arg4[%get3A_281, %get3A_282] : memref<10240x1xi32, #tpu.memory_space<vmem>>, vector<1x1xi32>
      %sub3A_284 = vector.broadcast %get3A_278 : vector<1x8xf32> to vector<128x8xf32>
      %sub3A_285 = arith.subf %get3A_34, %sub3A_284 : vector<128x8xf32>
      %mul3A_286 = arith.mulf %sub3A_285, %sub3A_285 : vector<128x8xf32>
      %reduce_sum3A_287 = arith.constant dense<0.000000e+00> : vector<128xf32>
      %reduce_sum3A_288 = vector.multi_reduction <add>, %mul3A_286, %reduce_sum3A_287 [1] : vector<128x8xf32> to vector<128xf32>
      %broadcast_in_dim3A_289 = vector.shape_cast %reduce_sum3A_288 : vector<128xf32> to vector<128x1xf32>
      %sqrt3A_290 = math.sqrt %broadcast_in_dim3A_289 : vector<128x1xf32>
      %div3A_291 = arith.constant 5.000000e+00 : f32
      %div3A_292 = vector.broadcast %div3A_291 : f32 to vector<128x1xf32>
      %div3A_293 = arith.divf %sqrt3A_290, %div3A_292 : vector<128x1xf32>
      %jit3A_294 = arith.constant 0.000000e+00 : f32
      %jit3A_295 = arith.constant 1.000000e+00 : f32
      %max3A_296 = vector.broadcast %jit3A_294 : f32 to vector<128x1xf32>
      %max3A_297 = arith.maximumf %max3A_296, %div3A_293 : vector<128x1xf32>
      %min3A_298 = vector.broadcast %jit3A_295 : f32 to vector<128x1xf32>
      %min3A_299 = arith.minimumf %min3A_298, %max3A_297 : vector<128x1xf32>
      %mul3A_300 = arith.constant 3.14159274 : f32
      %mul3A_301 = vector.broadcast %mul3A_300 : f32 to vector<128x1xf32>
      %mul3A_302 = arith.mulf %mul3A_301, %min3A_299 : vector<128x1xf32>
      %cos3A_303 = math.cos %mul3A_302 : vector<128x1xf32>
      %add3A_304 = arith.constant 1.000000e+00 : f32
      %add3A_305 = vector.broadcast %add3A_304 : f32 to vector<128x1xf32>
      %add3A_306 = arith.addf %cos3A_303, %add3A_305 : vector<128x1xf32>
      %mul3A_307 = arith.constant 5.000000e-01 : f32
      %mul3A_308 = vector.broadcast %mul3A_307 : f32 to vector<128x1xf32>
      %mul3A_309 = arith.mulf %mul3A_308, %add3A_306 : vector<128x1xf32>
      %lt3A_310 = arith.constant 1.000000e+00 : f32
      %lt3A_311 = vector.broadcast %lt3A_310 : f32 to vector<128x1xf32>
      %lt3A_312 = arith.cmpf olt, %min3A_299, %lt3A_311 : vector<128x1xf32>
      %convert_element_type3A_313 = arith.extui %lt3A_312 : vector<128x1xi1> to vector<128x1xi32>
      %convert_element_type3A_314 = arith.sitofp %convert_element_type3A_313 : vector<128x1xi32> to vector<128x1xf32>
      %mul3A_315 = arith.mulf %mul3A_309, %convert_element_type3A_314 : vector<128x1xf32>
      %gt3A_316 = arith.constant 0.000000e+00 : f32
      %gt3A_317 = vector.broadcast %gt3A_316 : f32 to vector<128x1xf32>
      %gt3A_318 = arith.cmpf ogt, %sqrt3A_290, %gt3A_317 : vector<128x1xf32>
      %le3A_319 = arith.constant 5.000000e+00 : f32
      %le3A_320 = vector.broadcast %le3A_319 : f32 to vector<128x1xf32>
      %le3A_321 = arith.cmpf ole, %sqrt3A_290, %le3A_320 : vector<128x1xf32>
      %and3A_322 = arith.andi %gt3A_318, %le3A_321 : vector<128x1xi1>
      %eq3A_323 = vector.broadcast %get3A_283 : vector<1x1xi32> to vector<128x1xi32>
      %eq3A_324 = arith.cmpi eq, %get3A_37, %eq3A_323 : vector<128x1xi32>
      %and3A_325 = arith.andi %and3A_322, %eq3A_324 : vector<128x1xi1>
      %convert_element_type3A_326 = arith.extui %and3A_325 : vector<128x1xi1> to vector<128x1xi32>
      %convert_element_type3A_327 = arith.sitofp %convert_element_type3A_326 : vector<128x1xi32> to vector<128x1xf32>
      %swap3A_328 = arith.constant 512 : index
      %swap3A_329 = arith.constant 0 : index
      %swap3A_330 = vector.load %arg14[%swap3A_328, %swap3A_329] : memref<1024x1xf32, #tpu.memory_space<vmem>>, vector<128x1xf32>
      tpu.vector_store %arg14[%swap3A_328, %swap3A_329], %sqrt3A_290 {strides = array<i32>} : memref<1024x1xf32, #tpu.memory_space<vmem>>, vector<128x1xf32>,
      %mul3A_331 = arith.mulf %mul3A_315, %convert_element_type3A_327 : vector<128x1xf32>
      %swap3A_332 = arith.constant 512 : index
      %swap3A_333 = arith.constant 0 : index
      %swap3A_334 = vector.load %arg15[%swap3A_332, %swap3A_333] : memref<1024x1xf32, #tpu.memory_space<vmem>>, vector<128x1xf32>
      tpu.vector_store %arg15[%swap3A_332, %swap3A_333], %mul3A_331 {strides = array<i32>} : memref<1024x1xf32, #tpu.memory_space<vmem>>, vector<128x1xf32>,
      %add3A_335 = arith.constant 5 : i32
      %add3A_336 = arith.addi %mul3A_0, %add3A_335 : i32
      %get3A_337 = arith.index_cast %add3A_336 : i32 to index
      %get3A_338 = arith.constant 0 : index
      %get3A_339 = vector.load %arg3[%get3A_337, %get3A_338] : memref<10240x8xf32, #tpu.memory_space<vmem>>, vector<1x8xf32>
      %add3A_340 = arith.constant 5 : i32
      %add3A_341 = arith.addi %mul3A_0, %add3A_340 : i32
      %get3A_342 = arith.index_cast %add3A_341 : i32 to index
      %get3A_343 = arith.constant 0 : index
      %get3A_344 = vector.load %arg4[%get3A_342, %get3A_343] : memref<10240x1xi32, #tpu.memory_space<vmem>>, vector<1x1xi32>
      %sub3A_345 = vector.broadcast %get3A_339 : vector<1x8xf32> to vector<128x8xf32>
      %sub3A_346 = arith.subf %get3A_34, %sub3A_345 : vector<128x8xf32>
      %mul3A_347 = arith.mulf %sub3A_346, %sub3A_346 : vector<128x8xf32>
      %reduce_sum3A_348 = arith.constant dense<0.000000e+00> : vector<128xf32>
      %reduce_sum3A_349 = vector.multi_reduction <add>, %mul3A_347, %reduce_sum3A_348 [1] : vector<128x8xf32> to vector<128xf32>
      %broadcast_in_dim3A_350 = vector.shape_cast %reduce_sum3A_349 : vector<128xf32> to vector<128x1xf32>
      %sqrt3A_351 = math.sqrt %broadcast_in_dim3A_350 : vector<128x1xf32>
      %div3A_352 = arith.constant 5.000000e+00 : f32
      %div3A_353 = vector.broadcast %div3A_352 : f32 to vector<128x1xf32>
      %div3A_354 = arith.divf %sqrt3A_351, %div3A_353 : vector<128x1xf32>
      %jit3A_355 = arith.constant 0.000000e+00 : f32
      %jit3A_356 = arith.constant 1.000000e+00 : f32
      %max3A_357 = vector.broadcast %jit3A_355 : f32 to vector<128x1xf32>
      %max3A_358 = arith.maximumf %max3A_357, %div3A_354 : vector<128x1xf32>
      %min3A_359 = vector.broadcast %jit3A_356 : f32 to vector<128x1xf32>
      %min3A_360 = arith.minimumf %min3A_359, %max3A_358 : vector<128x1xf32>
      %mul3A_361 = arith.constant 3.14159274 : f32
      %mul3A_362 = vector.broadcast %mul3A_361 : f32 to vector<128x1xf32>
      %mul3A_363 = arith.mulf %mul3A_362, %min3A_360 : vector<128x1xf32>
      %cos3A_364 = math.cos %mul3A_363 : vector<128x1xf32>
      %add3A_365 = arith.constant 1.000000e+00 : f32
      %add3A_366 = vector.broadcast %add3A_365 : f32 to vector<128x1xf32>
      %add3A_367 = arith.addf %cos3A_364, %add3A_366 : vector<128x1xf32>
      %mul3A_368 = arith.constant 5.000000e-01 : f32
      %mul3A_369 = vector.broadcast %mul3A_368 : f32 to vector<128x1xf32>
      %mul3A_370 = arith.mulf %mul3A_369, %add3A_367 : vector<128x1xf32>
      %lt3A_371 = arith.constant 1.000000e+00 : f32
      %lt3A_372 = vector.broadcast %lt3A_371 : f32 to vector<128x1xf32>
      %lt3A_373 = arith.cmpf olt, %min3A_360, %lt3A_372 : vector<128x1xf32>
      %convert_element_type3A_374 = arith.extui %lt3A_373 : vector<128x1xi1> to vector<128x1xi32>
      %convert_element_type3A_375 = arith.sitofp %convert_element_type3A_374 : vector<128x1xi32> to vector<128x1xf32>
      %mul3A_376 = arith.mulf %mul3A_370, %convert_element_type3A_375 : vector<128x1xf32>
      %gt3A_377 = arith.constant 0.000000e+00 : f32
      %gt3A_378 = vector.broadcast %gt3A_377 : f32 to vector<128x1xf32>
      %gt3A_379 = arith.cmpf ogt, %sqrt3A_351, %gt3A_378 : vector<128x1xf32>
      %le3A_380 = arith.constant 5.000000e+00 : f32
      %le3A_381 = vector.broadcast %le3A_380 : f32 to vector<128x1xf32>
      %le3A_382 = arith.cmpf ole, %sqrt3A_351, %le3A_381 : vector<128x1xf32>
      %and3A_383 = arith.andi %gt3A_379, %le3A_382 : vector<128x1xi1>
      %eq3A_384 = vector.broadcast %get3A_344 : vector<1x1xi32> to vector<128x1xi32>
      %eq3A_385 = arith.cmpi eq, %get3A_37, %eq3A_384 : vector<128x1xi32>
      %and3A_386 = arith.andi %and3A_383, %eq3A_385 : vector<128x1xi1>
      %convert_element_type3A_387 = arith.extui %and3A_386 : vector<128x1xi1> to vector<128x1xi32>
      %convert_element_type3A_388 = arith.sitofp %convert_element_type3A_387 : vector<128x1xi32> to vector<128x1xf32>
      %swap3A_389 = arith.constant 640 : index
      %swap3A_390 = arith.constant 0 : index
      %swap3A_391 = vector.load %arg14[%swap3A_389, %swap3A_390] : memref<1024x1xf32, #tpu.memory_space<vmem>>, vector<128x1xf32>
      tpu.vector_store %arg14[%swap3A_389, %swap3A_390], %sqrt3A_351 {strides = array<i32>} : memref<1024x1xf32, #tpu.memory_space<vmem>>, vector<128x1xf32>,
      %mul3A_392 = arith.mulf %mul3A_376, %convert_element_type3A_388 : vector<128x1xf32>
      %swap3A_393 = arith.constant 640 : index
      %swap3A_394 = arith.constant 0 : index
      %swap3A_395 = vector.load %arg15[%swap3A_393, %swap3A_394] : memref<1024x1xf32, #tpu.memory_space<vmem>>, vector<128x1xf32>
      tpu.vector_store %arg15[%swap3A_393, %swap3A_394], %mul3A_392 {strides = array<i32>} : memref<1024x1xf32, #tpu.memory_space<vmem>>, vector<128x1xf32>,
      %add3A_396 = arith.constant 6 : i32
      %add3A_397 = arith.addi %mul3A_0, %add3A_396 : i32
      %get3A_398 = arith.index_cast %add3A_397 : i32 to index
      %get3A_399 = arith.constant 0 : index
      %get3A_400 = vector.load %arg3[%get3A_398, %get3A_399] : memref<10240x8xf32, #tpu.memory_space<vmem>>, vector<1x8xf32>
      %add3A_401 = arith.constant 6 : i32
      %add3A_402 = arith.addi %mul3A_0, %add3A_401 : i32
      %get3A_403 = arith.index_cast %add3A_402 : i32 to index
      %get3A_404 = arith.constant 0 : index
      %get3A_405 = vector.load %arg4[%get3A_403, %get3A_404] : memref<10240x1xi32, #tpu.memory_space<vmem>>, vector<1x1xi32>
      %sub3A_406 = vector.broadcast %get3A_400 : vector<1x8xf32> to vector<128x8xf32>
      %sub3A_407 = arith.subf %get3A_34, %sub3A_406 : vector<128x8xf32>
      %mul3A_408 = arith.mulf %sub3A_407, %sub3A_407 : vector<128x8xf32>
      %reduce_sum3A_409 = arith.constant dense<0.000000e+00> : vector<128xf32>
      %reduce_sum3A_410 = vector.multi_reduction <add>, %mul3A_408, %reduce_sum3A_409 [1] : vector<128x8xf32> to vector<128xf32>
      %broadcast_in_dim3A_411 = vector.shape_cast %reduce_sum3A_410 : vector<128xf32> to vector<128x1xf32>
      %sqrt3A_412 = math.sqrt %broadcast_in_dim3A_411 : vector<128x1xf32>
      %div3A_413 = arith.constant 5.000000e+00 : f32
      %div3A_414 = vector.broadcast %div3A_413 : f32 to vector<128x1xf32>
      %div3A_415 = arith.divf %sqrt3A_412, %div3A_414 : vector<128x1xf32>
      %jit3A_416 = arith.constant 0.000000e+00 : f32
      %jit3A_417 = arith.constant 1.000000e+00 : f32
      %max3A_418 = vector.broadcast %jit3A_416 : f32 to vector<128x1xf32>
      %max3A_419 = arith.maximumf %max3A_418, %div3A_415 : vector<128x1xf32>
      %min3A_420 = vector.broadcast %jit3A_417 : f32 to vector<128x1xf32>
      %min3A_421 = arith.minimumf %min3A_420, %max3A_419 : vector<128x1xf32>
      %mul3A_422 = arith.constant 3.14159274 : f32
      %mul3A_423 = vector.broadcast %mul3A_422 : f32 to vector<128x1xf32>
      %mul3A_424 = arith.mulf %mul3A_423, %min3A_421 : vector<128x1xf32>
      %cos3A_425 = math.cos %mul3A_424 : vector<128x1xf32>
      %add3A_426 = arith.constant 1.000000e+00 : f32
      %add3A_427 = vector.broadcast %add3A_426 : f32 to vector<128x1xf32>
      %add3A_428 = arith.addf %cos3A_425, %add3A_427 : vector<128x1xf32>
      %mul3A_429 = arith.constant 5.000000e-01 : f32
      %mul3A_430 = vector.broadcast %mul3A_429 : f32 to vector<128x1xf32>
      %mul3A_431 = arith.mulf %mul3A_430, %add3A_428 : vector<128x1xf32>
      %lt3A_432 = arith.constant 1.000000e+00 : f32
      %lt3A_433 = vector.broadcast %lt3A_432 : f32 to vector<128x1xf32>
      %lt3A_434 = arith.cmpf olt, %min3A_421, %lt3A_433 : vector<128x1xf32>
      %convert_element_type3A_435 = arith.extui %lt3A_434 : vector<128x1xi1> to vector<128x1xi32>
      %convert_element_type3A_436 = arith.sitofp %convert_element_type3A_435 : vector<128x1xi32> to vector<128x1xf32>
      %mul3A_437 = arith.mulf %mul3A_431, %convert_element_type3A_436 : vector<128x1xf32>
      %gt3A_438 = arith.constant 0.000000e+00 : f32
      %gt3A_439 = vector.broadcast %gt3A_438 : f32 to vector<128x1xf32>
      %gt3A_440 = arith.cmpf ogt, %sqrt3A_412, %gt3A_439 : vector<128x1xf32>
      %le3A_441 = arith.constant 5.000000e+00 : f32
      %le3A_442 = vector.broadcast %le3A_441 : f32 to vector<128x1xf32>
      %le3A_443 = arith.cmpf ole, %sqrt3A_412, %le3A_442 : vector<128x1xf32>
      %and3A_444 = arith.andi %gt3A_440, %le3A_443 : vector<128x1xi1>
      %eq3A_445 = vector.broadcast %get3A_405 : vector<1x1xi32> to vector<128x1xi32>
      %eq3A_446 = arith.cmpi eq, %get3A_37, %eq3A_445 : vector<128x1xi32>
      %and3A_447 = arith.andi %and3A_444, %eq3A_446 : vector<128x1xi1>
      %convert_element_type3A_448 = arith.extui %and3A_447 : vector<128x1xi1> to vector<128x1xi32>
      %convert_element_type3A_449 = arith.sitofp %convert_element_type3A_448 : vector<128x1xi32> to vector<128x1xf32>
      %swap3A_450 = arith.constant 768 : index
      %swap3A_451 = arith.constant 0 : index
      %swap3A_452 = vector.load %arg14[%swap3A_450, %swap3A_451] : memref<1024x1xf32, #tpu.memory_space<vmem>>, vector<128x1xf32>
      tpu.vector_store %arg14[%swap3A_450, %swap3A_451], %sqrt3A_412 {strides = array<i32>} : memref<1024x1xf32, #tpu.memory_space<vmem>>, vector<128x1xf32>,
      %mul3A_453 = arith.mulf %mul3A_437, %convert_element_type3A_449 : vector<128x1xf32>
      %swap3A_454 = arith.constant 768 : index
      %swap3A_455 = arith.constant 0 : index
      %swap3A_456 = vector.load %arg15[%swap3A_454, %swap3A_455] : memref<1024x1xf32, #tpu.memory_space<vmem>>, vector<128x1xf32>
      tpu.vector_store %arg15[%swap3A_454, %swap3A_455], %mul3A_453 {strides = array<i32>} : memref<1024x1xf32, #tpu.memory_space<vmem>>, vector<128x1xf32>,
      %add3A_457 = arith.constant 7 : i32
      %add3A_458 = arith.addi %mul3A_0, %add3A_457 : i32
      %get3A_459 = arith.index_cast %add3A_458 : i32 to index
      %get3A_460 = arith.constant 0 : index
      %get3A_461 = vector.load %arg3[%get3A_459, %get3A_460] : memref<10240x8xf32, #tpu.memory_space<vmem>>, vector<1x8xf32>
      %add3A_462 = arith.constant 7 : i32
      %add3A_463 = arith.addi %mul3A_0, %add3A_462 : i32
      %get3A_464 = arith.index_cast %add3A_463 : i32 to index
      %get3A_465 = arith.constant 0 : index
      %get3A_466 = vector.load %arg4[%get3A_464, %get3A_465] : memref<10240x1xi32, #tpu.memory_space<vmem>>, vector<1x1xi32>
      %sub3A_467 = vector.broadcast %get3A_461 : vector<1x8xf32> to vector<128x8xf32>
      %sub3A_468 = arith.subf %get3A_34, %sub3A_467 : vector<128x8xf32>
      %mul3A_469 = arith.mulf %sub3A_468, %sub3A_468 : vector<128x8xf32>
      %reduce_sum3A_470 = arith.constant dense<0.000000e+00> : vector<128xf32>
      %reduce_sum3A_471 = vector.multi_reduction <add>, %mul3A_469, %reduce_sum3A_470 [1] : vector<128x8xf32> to vector<128xf32>
      %broadcast_in_dim3A_472 = vector.shape_cast %reduce_sum3A_471 : vector<128xf32> to vector<128x1xf32>
      %sqrt3A_473 = math.sqrt %broadcast_in_dim3A_472 : vector<128x1xf32>
      %div3A_474 = arith.constant 5.000000e+00 : f32
      %div3A_475 = vector.broadcast %div3A_474 : f32 to vector<128x1xf32>
      %div3A_476 = arith.divf %sqrt3A_473, %div3A_475 : vector<128x1xf32>
      %jit3A_477 = arith.constant 0.000000e+00 : f32
      %jit3A_478 = arith.constant 1.000000e+00 : f32
      %max3A_479 = vector.broadcast %jit3A_477 : f32 to vector<128x1xf32>
      %max3A_480 = arith.maximumf %max3A_479, %div3A_476 : vector<128x1xf32>
      %min3A_481 = vector.broadcast %jit3A_478 : f32 to vector<128x1xf32>
      %min3A_482 = arith.minimumf %min3A_481, %max3A_480 : vector<128x1xf32>
      %mul3A_483 = arith.constant 3.14159274 : f32
      %mul3A_484 = vector.broadcast %mul3A_483 : f32 to vector<128x1xf32>
      %mul3A_485 = arith.mulf %mul3A_484, %min3A_482 : vector<128x1xf32>
      %cos3A_486 = math.cos %mul3A_485 : vector<128x1xf32>
      %add3A_487 = arith.constant 1.000000e+00 : f32
      %add3A_488 = vector.broadcast %add3A_487 : f32 to vector<128x1xf32>
      %add3A_489 = arith.addf %cos3A_486, %add3A_488 : vector<128x1xf32>
      %mul3A_490 = arith.constant 5.000000e-01 : f32
      %mul3A_491 = vector.broadcast %mul3A_490 : f32 to vector<128x1xf32>
      %mul3A_492 = arith.mulf %mul3A_491, %add3A_489 : vector<128x1xf32>
      %lt3A_493 = arith.constant 1.000000e+00 : f32
      %lt3A_494 = vector.broadcast %lt3A_493 : f32 to vector<128x1xf32>
      %lt3A_495 = arith.cmpf olt, %min3A_482, %lt3A_494 : vector<128x1xf32>
      %convert_element_type3A_496 = arith.extui %lt3A_495 : vector<128x1xi1> to vector<128x1xi32>
      %convert_element_type3A_497 = arith.sitofp %convert_element_type3A_496 : vector<128x1xi32> to vector<128x1xf32>
      %mul3A_498 = arith.mulf %mul3A_492, %convert_element_type3A_497 : vector<128x1xf32>
      %gt3A_499 = arith.constant 0.000000e+00 : f32
      %gt3A_500 = vector.broadcast %gt3A_499 : f32 to vector<128x1xf32>
      %gt3A_501 = arith.cmpf ogt, %sqrt3A_473, %gt3A_500 : vector<128x1xf32>
      %le3A_502 = arith.constant 5.000000e+00 : f32
      %le3A_503 = vector.broadcast %le3A_502 : f32 to vector<128x1xf32>
      %le3A_504 = arith.cmpf ole, %sqrt3A_473, %le3A_503 : vector<128x1xf32>
      %and3A_505 = arith.andi %gt3A_501, %le3A_504 : vector<128x1xi1>
      %eq3A_506 = vector.broadcast %get3A_466 : vector<1x1xi32> to vector<128x1xi32>
      %eq3A_507 = arith.cmpi eq, %get3A_37, %eq3A_506 : vector<128x1xi32>
      %and3A_508 = arith.andi %and3A_505, %eq3A_507 : vector<128x1xi1>
      %convert_element_type3A_509 = arith.extui %and3A_508 : vector<128x1xi1> to vector<128x1xi32>
      %convert_element_type3A_510 = arith.sitofp %convert_element_type3A_509 : vector<128x1xi32> to vector<128x1xf32>
      %swap3A_511 = arith.constant 896 : index
      %swap3A_512 = arith.constant 0 : index
      %swap3A_513 = vector.load %arg14[%swap3A_511, %swap3A_512] : memref<1024x1xf32, #tpu.memory_space<vmem>>, vector<128x1xf32>
      tpu.vector_store %arg14[%swap3A_511, %swap3A_512], %sqrt3A_473 {strides = array<i32>} : memref<1024x1xf32, #tpu.memory_space<vmem>>, vector<128x1xf32>,
      %mul3A_514 = arith.mulf %mul3A_498, %convert_element_type3A_510 : vector<128x1xf32>
      %swap3A_515 = arith.constant 896 : index
      %swap3A_516 = arith.constant 0 : index
      %swap3A_517 = vector.load %arg15[%swap3A_515, %swap3A_516] : memref<1024x1xf32, #tpu.memory_space<vmem>>, vector<128x1xf32>
      tpu.vector_store %arg15[%swap3A_515, %swap3A_516], %mul3A_514 {strides = array<i32>} : memref<1024x1xf32, #tpu.memory_space<vmem>>, vector<128x1xf32>,
      %neg3A = arith.constant 0.000000e+00 : f32
      %neg3A_518 = arith.subf %neg3A, %get3A_8 : f32
      %get3A_519 = arith.constant 0 : index
      %get3A_520 = arith.constant 0 : index
      %get3A_521 = vector.load %arg14[%get3A_519, %get3A_520] : memref<1024x1xf32, #tpu.memory_space<vmem>>, vector<1024x1xf32>
      %sub3A_522 = vector.broadcast %get3A_521 : vector<1024x1xf32> to vector<1024x64xf32>
      %sub3A_523 = vector.broadcast %get3A_14 : vector<1x64xf32> to vector<1024x64xf32>
      %sub3A_524 = arith.subf %sub3A_522, %sub3A_523 : vector<1024x64xf32>
      %integer_pow3A = arith.mulf %sub3A_524, %sub3A_524 : vector<1024x64xf32>
      %mul3A_525 = vector.broadcast %neg3A_518 : f32 to vector<1024x64xf32>
      %mul3A_526 = arith.mulf %mul3A_525, %integer_pow3A : vector<1024x64xf32>
      %exp3A = math.exp %mul3A_526 : vector<1024x64xf32>
      %get3A_527 = arith.constant 0 : index
      %get3A_528 = arith.constant 0 : index
      %get3A_529 = vector.load %arg7[%get3A_527, %get3A_528] : memref<64x128xf32, #tpu.memory_space<vmem>>, vector<64x128xf32>
      %dot_general3A_530 = arith.constant dense<0.000000e+00> : vector<1024x128xf32>
      %dot_general3A_531 = tpu.matmul %exp3A, %get3A_529, %dot_general3A_530 {dimension_numbers = #tpu.dot_dimension_numbers<[1], [0], [0], [1], [0, 0, 1, 1], [], []>, transpose_lhs_hint = false} : vector<1024x64xf32>, vector<64x128xf32>, vector<1024x128xf32> -> vector<1024x128xf32>
      %get3A_532 = arith.constant 0 : index
      %get3A_533 = arith.constant 0 : index
      %get3A_534 = vector.load %arg8[%get3A_532, %get3A_533] : memref<1x128xf32, #tpu.memory_space<vmem>>, vector<1x128xf32>
      %add3A_535 = vector.broadcast %get3A_534 : vector<1x128xf32> to vector<1024x128xf32>
      %add3A_536 = arith.addf %dot_general3A_531, %add3A_535 : vector<1024x128xf32>
      %logistic3A = arith.negf %add3A_536 : vector<1024x128xf32>
      %logistic3A_537 = math.exp %logistic3A : vector<1024x128xf32>
      %logistic3A_538 = arith.constant 1.000000e+00 : f32
      %logistic3A_539 = vector.broadcast %logistic3A_538 : f32 to vector<1024x128xf32>
      %logistic3A_540 = arith.addf %logistic3A_539, %logistic3A_537 : vector<1024x128xf32>
      %logistic3A_541 = arith.divf %logistic3A_539, %logistic3A_540 : vector<1024x128xf32>
      %mul3A_542 = arith.mulf %add3A_536, %logistic3A_541 : vector<1024x128xf32>
      %get3A_543 = arith.constant 0 : index
      %get3A_544 = arith.constant 0 : index
      %get3A_545 = vector.load %arg9[%get3A_543, %get3A_544] : memref<128x128xf32, #tpu.memory_space<vmem>>, vector<128x128xf32>
      %dot_general3A_546 = arith.constant dense<0.000000e+00> : vector<1024x128xf32>
      %dot_general3A_547 = tpu.matmul %mul3A_542, %get3A_545, %dot_general3A_546 {dimension_numbers = #tpu.dot_dimension_numbers<[1], [0], [0], [1], [0, 0, 1, 1], [], []>, transpose_lhs_hint = false} : vector<1024x128xf32>, vector<128x128xf32>, vector<1024x128xf32> -> vector<1024x128xf32>
      %get3A_548 = arith.constant 0 : index
      %get3A_549 = arith.constant 0 : index
      %get3A_550 = vector.load %arg10[%get3A_548, %get3A_549] : memref<1x128xf32, #tpu.memory_space<vmem>>, vector<1x128xf32>
      %add3A_551 = vector.broadcast %get3A_550 : vector<1x128xf32> to vector<1024x128xf32>
      %add3A_552 = arith.addf %dot_general3A_547, %add3A_551 : vector<1024x128xf32>
      %get3A_553 = arith.constant 0 : index
      %get3A_554 = arith.constant 0 : index
      %get3A_555 = vector.load %arg15[%get3A_553, %get3A_554] : memref<1024x1xf32, #tpu.memory_space<vmem>>, vector<1024x1xf32>
      %mul3A_556 = vector.broadcast %get3A_555 : vector<1024x1xf32> to vector<1024x128xf32>
      %mul3A_557 = arith.mulf %add3A_552, %mul3A_556 : vector<1024x128xf32>
      %reshape3A = vector.shape_cast %mul3A_557 : vector<1024x128xf32> to vector<8x128x128xf32>
      %get3A_558 = arith.constant 0 : index
      %get3A_559 = arith.constant 0 : index
      %get3A_560 = vector.load %arg13[%get3A_558, %get3A_559] : memref<8x128xf32, #tpu.memory_space<vmem>>, vector<8x128xf32>
      %reshape3A_561 = vector.shape_cast %dot_general3A_44 : vector<128x128xf32> to vector<1x128x128xf32>
      %mul3A_562 = vector.broadcast %reshape3A_561 : vector<1x128x128xf32> to vector<8x128x128xf32>
      %mul3A_563 = arith.mulf %reshape3A, %mul3A_562 : vector<8x128x128xf32>
      %reduce_sum3A_564 = arith.constant dense<0.000000e+00> : vector<8x128xf32>
      %reduce_sum3A_565 = vector.multi_reduction <add>, %mul3A_563, %reduce_sum3A_564 [1] : vector<8x128x128xf32> to vector<8x128xf32>
      %add3A_566 = arith.addf %get3A_560, %reduce_sum3A_565 : vector<8x128xf32>
      %swap3A_567 = arith.constant 0 : index
      %swap3A_568 = arith.constant 0 : index
      %swap3A_569 = vector.load %arg13[%swap3A_567, %swap3A_568] : memref<8x128xf32, #tpu.memory_space<vmem>>, vector<8x128xf32>
      tpu.vector_store %arg13[%swap3A_567, %swap3A_568], %add3A_566 {strides = array<i32>} : memref<8x128xf32, #tpu.memory_space<vmem>>, vector<8x128xf32>,
    }
    %while3A_22 = arith.constant 1 : i32
    scf.for %while3A_29 = %while3A_20 to %while3A_16 step %while3A_22  : i32 {
      %mul3A_30 = arith.constant 128 : i32
      %mul3A_31 = arith.muli %while3A_29, %mul3A_30 : i32
      %get3A_32 = arith.index_cast %mul3A_31 : i32 to index
      %get3A_33 = arith.constant 0 : index
      %get3A_34 = vector.load %arg3[%get3A_32, %get3A_33] : memref<10240x8xf32, #tpu.memory_space<vmem>>, vector<128x8xf32>
      %get3A_35 = arith.index_cast %mul3A_31 : i32 to index
      %get3A_36 = arith.constant 0 : index
      %get3A_37 = vector.load %arg4[%get3A_35, %get3A_36] : memref<10240x1xi32, #tpu.memory_space<vmem>>, vector<128x1xi32>
      %get3A_38 = arith.index_cast %mul3A_31 : i32 to index
      %get3A_39 = arith.constant 0 : index
      %get3A_40 = vector.load %arg5[%get3A_38, %get3A_39] : memref<10240x128xf32, #tpu.memory_space<vmem>>, vector<128x128xf32>
      %get3A_41 = arith.constant 0 : index
      %get3A_42 = arith.constant 0 : index
      %get3A_43 = vector.load %arg11[%get3A_41, %get3A_42] : memref<128x128xf32, #tpu.memory_space<vmem>>, vector<128x128xf32>
      %dot_general3A = arith.constant dense<0.000000e+00> : vector<128x128xf32>
      %dot_general3A_44 = tpu.matmul %get3A_40, %get3A_43, %dot_general3A {dimension_numbers = #tpu.dot_dimension_numbers<[1], [0], [0], [1], [0, 0, 1, 1], [], []>, transpose_lhs_hint = false} : vector<128x128xf32>, vector<128x128xf32>, vector<128x128xf32> -> vector<128x128xf32>
      %add3A = arith.constant 0 : i32
      %add3A_45 = arith.addi %mul3A_0, %add3A : i32
      %get3A_46 = arith.index_cast %add3A_45 : i32 to index
      %get3A_47 = arith.constant 0 : index
      %get3A_48 = vector.load %arg3[%get3A_46, %get3A_47] : memref<10240x8xf32, #tpu.memory_space<vmem>>, vector<1x8xf32>
      %add3A_49 = arith.constant 0 : i32
      %add3A_50 = arith.addi %mul3A_0, %add3A_49 : i32
      %get3A_51 = arith.index_cast %add3A_50 : i32 to index
      %get3A_52 = arith.constant 0 : index
      %get3A_53 = vector.load %arg4[%get3A_51, %get3A_52] : memref<10240x1xi32, #tpu.memory_space<vmem>>, vector<1x1xi32>
      %sub3A = vector.broadcast %get3A_48 : vector<1x8xf32> to vector<128x8xf32>
      %sub3A_54 = arith.subf %get3A_34, %sub3A : vector<128x8xf32>
      %mul3A_55 = arith.mulf %sub3A_54, %sub3A_54 : vector<128x8xf32>
      %reduce_sum3A = arith.constant dense<0.000000e+00> : vector<128xf32>
      %reduce_sum3A_56 = vector.multi_reduction <add>, %mul3A_55, %reduce_sum3A [1] : vector<128x8xf32> to vector<128xf32>
      %broadcast_in_dim3A_57 = vector.shape_cast %reduce_sum3A_56 : vector<128xf32> to vector<128x1xf32>
      %sqrt3A = math.sqrt %broadcast_in_dim3A_57 : vector<128x1xf32>
      %div3A = arith.constant 5.000000e+00 : f32
      %div3A_58 = vector.broadcast %div3A : f32 to vector<128x1xf32>
      %div3A_59 = arith.divf %sqrt3A, %div3A_58 : vector<128x1xf32>
      %jit3A = arith.constant 0.000000e+00 : f32
      %jit3A_60 = arith.constant 1.000000e+00 : f32
      %max3A = vector.broadcast %jit3A : f32 to vector<128x1xf32>
      %max3A_61 = arith.maximumf %max3A, %div3A_59 : vector<128x1xf32>
      %min3A = vector.broadcast %jit3A_60 : f32 to vector<128x1xf32>
      %min3A_62 = arith.minimumf %min3A, %max3A_61 : vector<128x1xf32>
      %mul3A_63 = arith.constant 3.14159274 : f32
      %mul3A_64 = vector.broadcast %mul3A_63 : f32 to vector<128x1xf32>
      %mul3A_65 = arith.mulf %mul3A_64, %min3A_62 : vector<128x1xf32>
      %cos3A = math.cos %mul3A_65 : vector<128x1xf32>
      %add3A_66 = arith.constant 1.000000e+00 : f32
      %add3A_67 = vector.broadcast %add3A_66 : f32 to vector<128x1xf32>
      %add3A_68 = arith.addf %cos3A, %add3A_67 : vector<128x1xf32>
      %mul3A_69 = arith.constant 5.000000e-01 : f32
      %mul3A_70 = vector.broadcast %mul3A_69 : f32 to vector<128x1xf32>
      %mul3A_71 = arith.mulf %mul3A_70, %add3A_68 : vector<128x1xf32>
      %lt3A = arith.constant 1.000000e+00 : f32
      %lt3A_72 = vector.broadcast %lt3A : f32 to vector<128x1xf32>
      %lt3A_73 = arith.cmpf olt, %min3A_62, %lt3A_72 : vector<128x1xf32>
      %convert_element_type3A = arith.extui %lt3A_73 : vector<128x1xi1> to vector<128x1xi32>
      %convert_element_type3A_74 = arith.sitofp %convert_element_type3A : vector<128x1xi32> to vector<128x1xf32>
      %mul3A_75 = arith.mulf %mul3A_71, %convert_element_type3A_74 : vector<128x1xf32>
      %gt3A = arith.constant 0.000000e+00 : f32
      %gt3A_76 = vector.broadcast %gt3A : f32 to vector<128x1xf32>
      %gt3A_77 = arith.cmpf ogt, %sqrt3A, %gt3A_76 : vector<128x1xf32>
      %le3A = arith.constant 5.000000e+00 : f32
      %le3A_78 = vector.broadcast %le3A : f32 to vector<128x1xf32>
      %le3A_79 = arith.cmpf ole, %sqrt3A, %le3A_78 : vector<128x1xf32>
      %and3A = arith.andi %gt3A_77, %le3A_79 : vector<128x1xi1>
      %eq3A = vector.broadcast %get3A_53 : vector<1x1xi32> to vector<128x1xi32>
      %eq3A_80 = arith.cmpi eq, %get3A_37, %eq3A : vector<128x1xi32>
      %and3A_81 = arith.andi %and3A, %eq3A_80 : vector<128x1xi1>
      %convert_element_type3A_82 = arith.extui %and3A_81 : vector<128x1xi1> to vector<128x1xi32>
      %convert_element_type3A_83 = arith.sitofp %convert_element_type3A_82 : vector<128x1xi32> to vector<128x1xf32>
      %swap3A_84 = arith.constant 0 : index
      %swap3A_85 = arith.constant 0 : index
      %swap3A_86 = vector.load %arg14[%swap3A_84, %swap3A_85] : memref<1024x1xf32, #tpu.memory_space<vmem>>, vector<128x1xf32>
      tpu.vector_store %arg14[%swap3A_84, %swap3A_85], %sqrt3A {strides = array<i32>} : memref<1024x1xf32, #tpu.memory_space<vmem>>, vector<128x1xf32>,
      %mul3A_87 = arith.mulf %mul3A_75, %convert_element_type3A_83 : vector<128x1xf32>
      %swap3A_88 = arith.constant 0 : index
      %swap3A_89 = arith.constant 0 : index
      %swap3A_90 = vector.load %arg15[%swap3A_88, %swap3A_89] : memref<1024x1xf32, #tpu.memory_space<vmem>>, vector<128x1xf32>
      tpu.vector_store %arg15[%swap3A_88, %swap3A_89], %mul3A_87 {strides = array<i32>} : memref<1024x1xf32, #tpu.memory_space<vmem>>, vector<128x1xf32>,
      %add3A_91 = arith.constant 1 : i32
      %add3A_92 = arith.addi %mul3A_0, %add3A_91 : i32
      %get3A_93 = arith.index_cast %add3A_92 : i32 to index
      %get3A_94 = arith.constant 0 : index
      %get3A_95 = vector.load %arg3[%get3A_93, %get3A_94] : memref<10240x8xf32, #tpu.memory_space<vmem>>, vector<1x8xf32>
      %add3A_96 = arith.constant 1 : i32
      %add3A_97 = arith.addi %mul3A_0, %add3A_96 : i32
      %get3A_98 = arith.index_cast %add3A_97 : i32 to index
      %get3A_99 = arith.constant 0 : index
      %get3A_100 = vector.load %arg4[%get3A_98, %get3A_99] : memref<10240x1xi32, #tpu.memory_space<vmem>>, vector<1x1xi32>
      %sub3A_101 = vector.broadcast %get3A_95 : vector<1x8xf32> to vector<128x8xf32>
      %sub3A_102 = arith.subf %get3A_34, %sub3A_101 : vector<128x8xf32>
      %mul3A_103 = arith.mulf %sub3A_102, %sub3A_102 : vector<128x8xf32>
      %reduce_sum3A_104 = arith.constant dense<0.000000e+00> : vector<128xf32>
      %reduce_sum3A_105 = vector.multi_reduction <add>, %mul3A_103, %reduce_sum3A_104 [1] : vector<128x8xf32> to vector<128xf32>
      %broadcast_in_dim3A_106 = vector.shape_cast %reduce_sum3A_105 : vector<128xf32> to vector<128x1xf32>
      %sqrt3A_107 = math.sqrt %broadcast_in_dim3A_106 : vector<128x1xf32>
      %div3A_108 = arith.constant 5.000000e+00 : f32
      %div3A_109 = vector.broadcast %div3A_108 : f32 to vector<128x1xf32>
      %div3A_110 = arith.divf %sqrt3A_107, %div3A_109 : vector<128x1xf32>
      %jit3A_111 = arith.constant 0.000000e+00 : f32
      %jit3A_112 = arith.constant 1.000000e+00 : f32
      %max3A_113 = vector.broadcast %jit3A_111 : f32 to vector<128x1xf32>
      %max3A_114 = arith.maximumf %max3A_113, %div3A_110 : vector<128x1xf32>
      %min3A_115 = vector.broadcast %jit3A_112 : f32 to vector<128x1xf32>
      %min3A_116 = arith.minimumf %min3A_115, %max3A_114 : vector<128x1xf32>
      %mul3A_117 = arith.constant 3.14159274 : f32
      %mul3A_118 = vector.broadcast %mul3A_117 : f32 to vector<128x1xf32>
      %mul3A_119 = arith.mulf %mul3A_118, %min3A_116 : vector<128x1xf32>
      %cos3A_120 = math.cos %mul3A_119 : vector<128x1xf32>
      %add3A_121 = arith.constant 1.000000e+00 : f32
      %add3A_122 = vector.broadcast %add3A_121 : f32 to vector<128x1xf32>
      %add3A_123 = arith.addf %cos3A_120, %add3A_122 : vector<128x1xf32>
      %mul3A_124 = arith.constant 5.000000e-01 : f32
      %mul3A_125 = vector.broadcast %mul3A_124 : f32 to vector<128x1xf32>
      %mul3A_126 = arith.mulf %mul3A_125, %add3A_123 : vector<128x1xf32>
      %lt3A_127 = arith.constant 1.000000e+00 : f32
      %lt3A_128 = vector.broadcast %lt3A_127 : f32 to vector<128x1xf32>
      %lt3A_129 = arith.cmpf olt, %min3A_116, %lt3A_128 : vector<128x1xf32>
      %convert_element_type3A_130 = arith.extui %lt3A_129 : vector<128x1xi1> to vector<128x1xi32>
      %convert_element_type3A_131 = arith.sitofp %convert_element_type3A_130 : vector<128x1xi32> to vector<128x1xf32>
      %mul3A_132 = arith.mulf %mul3A_126, %convert_element_type3A_131 : vector<128x1xf32>
      %gt3A_133 = arith.constant 0.000000e+00 : f32
      %gt3A_134 = vector.broadcast %gt3A_133 : f32 to vector<128x1xf32>
      %gt3A_135 = arith.cmpf ogt, %sqrt3A_107, %gt3A_134 : vector<128x1xf32>
      %le3A_136 = arith.constant 5.000000e+00 : f32
      %le3A_137 = vector.broadcast %le3A_136 : f32 to vector<128x1xf32>
      %le3A_138 = arith.cmpf ole, %sqrt3A_107, %le3A_137 : vector<128x1xf32>
      %and3A_139 = arith.andi %gt3A_135, %le3A_138 : vector<128x1xi1>
      %eq3A_140 = vector.broadcast %get3A_100 : vector<1x1xi32> to vector<128x1xi32>
      %eq3A_141 = arith.cmpi eq, %get3A_37, %eq3A_140 : vector<128x1xi32>
      %and3A_142 = arith.andi %and3A_139, %eq3A_141 : vector<128x1xi1>
      %convert_element_type3A_143 = arith.extui %and3A_142 : vector<128x1xi1> to vector<128x1xi32>
      %convert_element_type3A_144 = arith.sitofp %convert_element_type3A_143 : vector<128x1xi32> to vector<128x1xf32>
      %swap3A_145 = arith.constant 128 : index
      %swap3A_146 = arith.constant 0 : index
      %swap3A_147 = vector.load %arg14[%swap3A_145, %swap3A_146] : memref<1024x1xf32, #tpu.memory_space<vmem>>, vector<128x1xf32>
      tpu.vector_store %arg14[%swap3A_145, %swap3A_146], %sqrt3A_107 {strides = array<i32>} : memref<1024x1xf32, #tpu.memory_space<vmem>>, vector<128x1xf32>,
      %mul3A_148 = arith.mulf %mul3A_132, %convert_element_type3A_144 : vector<128x1xf32>
      %swap3A_149 = arith.constant 128 : index
      %swap3A_150 = arith.constant 0 : index
      %swap3A_151 = vector.load %arg15[%swap3A_149, %swap3A_150] : memref<1024x1xf32, #tpu.memory_space<vmem>>, vector<128x1xf32>
      tpu.vector_store %arg15[%swap3A_149, %swap3A_150], %mul3A_148 {strides = array<i32>} : memref<1024x1xf32, #tpu.memory_space<vmem>>, vector<128x1xf32>,
      %add3A_152 = arith.constant 2 : i32
      %add3A_153 = arith.addi %mul3A_0, %add3A_152 : i32
      %get3A_154 = arith.index_cast %add3A_153 : i32 to index
      %get3A_155 = arith.constant 0 : index
      %get3A_156 = vector.load %arg3[%get3A_154, %get3A_155] : memref<10240x8xf32, #tpu.memory_space<vmem>>, vector<1x8xf32>
      %add3A_157 = arith.constant 2 : i32
      %add3A_158 = arith.addi %mul3A_0, %add3A_157 : i32
      %get3A_159 = arith.index_cast %add3A_158 : i32 to index
      %get3A_160 = arith.constant 0 : index
      %get3A_161 = vector.load %arg4[%get3A_159, %get3A_160] : memref<10240x1xi32, #tpu.memory_space<vmem>>, vector<1x1xi32>
      %sub3A_162 = vector.broadcast %get3A_156 : vector<1x8xf32> to vector<128x8xf32>
      %sub3A_163 = arith.subf %get3A_34, %sub3A_162 : vector<128x8xf32>
      %mul3A_164 = arith.mulf %sub3A_163, %sub3A_163 : vector<128x8xf32>
      %reduce_sum3A_165 = arith.constant dense<0.000000e+00> : vector<128xf32>
      %reduce_sum3A_166 = vector.multi_reduction <add>, %mul3A_164, %reduce_sum3A_165 [1] : vector<128x8xf32> to vector<128xf32>
      %broadcast_in_dim3A_167 = vector.shape_cast %reduce_sum3A_166 : vector<128xf32> to vector<128x1xf32>
      %sqrt3A_168 = math.sqrt %broadcast_in_dim3A_167 : vector<128x1xf32>
      %div3A_169 = arith.constant 5.000000e+00 : f32
      %div3A_170 = vector.broadcast %div3A_169 : f32 to vector<128x1xf32>
      %div3A_171 = arith.divf %sqrt3A_168, %div3A_170 : vector<128x1xf32>
      %jit3A_172 = arith.constant 0.000000e+00 : f32
      %jit3A_173 = arith.constant 1.000000e+00 : f32
      %max3A_174 = vector.broadcast %jit3A_172 : f32 to vector<128x1xf32>
      %max3A_175 = arith.maximumf %max3A_174, %div3A_171 : vector<128x1xf32>
      %min3A_176 = vector.broadcast %jit3A_173 : f32 to vector<128x1xf32>
      %min3A_177 = arith.minimumf %min3A_176, %max3A_175 : vector<128x1xf32>
      %mul3A_178 = arith.constant 3.14159274 : f32
      %mul3A_179 = vector.broadcast %mul3A_178 : f32 to vector<128x1xf32>
      %mul3A_180 = arith.mulf %mul3A_179, %min3A_177 : vector<128x1xf32>
      %cos3A_181 = math.cos %mul3A_180 : vector<128x1xf32>
      %add3A_182 = arith.constant 1.000000e+00 : f32
      %add3A_183 = vector.broadcast %add3A_182 : f32 to vector<128x1xf32>
      %add3A_184 = arith.addf %cos3A_181, %add3A_183 : vector<128x1xf32>
      %mul3A_185 = arith.constant 5.000000e-01 : f32
      %mul3A_186 = vector.broadcast %mul3A_185 : f32 to vector<128x1xf32>
      %mul3A_187 = arith.mulf %mul3A_186, %add3A_184 : vector<128x1xf32>
      %lt3A_188 = arith.constant 1.000000e+00 : f32
      %lt3A_189 = vector.broadcast %lt3A_188 : f32 to vector<128x1xf32>
      %lt3A_190 = arith.cmpf olt, %min3A_177, %lt3A_189 : vector<128x1xf32>
      %convert_element_type3A_191 = arith.extui %lt3A_190 : vector<128x1xi1> to vector<128x1xi32>
      %convert_element_type3A_192 = arith.sitofp %convert_element_type3A_191 : vector<128x1xi32> to vector<128x1xf32>
      %mul3A_193 = arith.mulf %mul3A_187, %convert_element_type3A_192 : vector<128x1xf32>
      %gt3A_194 = arith.constant 0.000000e+00 : f32
      %gt3A_195 = vector.broadcast %gt3A_194 : f32 to vector<128x1xf32>
      %gt3A_196 = arith.cmpf ogt, %sqrt3A_168, %gt3A_195 : vector<128x1xf32>
      %le3A_197 = arith.constant 5.000000e+00 : f32
      %le3A_198 = vector.broadcast %le3A_197 : f32 to vector<128x1xf32>
      %le3A_199 = arith.cmpf ole, %sqrt3A_168, %le3A_198 : vector<128x1xf32>
      %and3A_200 = arith.andi %gt3A_196, %le3A_199 : vector<128x1xi1>
      %eq3A_201 = vector.broadcast %get3A_161 : vector<1x1xi32> to vector<128x1xi32>
      %eq3A_202 = arith.cmpi eq, %get3A_37, %eq3A_201 : vector<128x1xi32>
      %and3A_203 = arith.andi %and3A_200, %eq3A_202 : vector<128x1xi1>
      %convert_element_type3A_204 = arith.extui %and3A_203 : vector<128x1xi1> to vector<128x1xi32>
      %convert_element_type3A_205 = arith.sitofp %convert_element_type3A_204 : vector<128x1xi32> to vector<128x1xf32>
      %swap3A_206 = arith.constant 256 : index
      %swap3A_207 = arith.constant 0 : index
      %swap3A_208 = vector.load %arg14[%swap3A_206, %swap3A_207] : memref<1024x1xf32, #tpu.memory_space<vmem>>, vector<128x1xf32>
      tpu.vector_store %arg14[%swap3A_206, %swap3A_207], %sqrt3A_168 {strides = array<i32>} : memref<1024x1xf32, #tpu.memory_space<vmem>>, vector<128x1xf32>,
      %mul3A_209 = arith.mulf %mul3A_193, %convert_element_type3A_205 : vector<128x1xf32>
      %swap3A_210 = arith.constant 256 : index
      %swap3A_211 = arith.constant 0 : index
      %swap3A_212 = vector.load %arg15[%swap3A_210, %swap3A_211] : memref<1024x1xf32, #tpu.memory_space<vmem>>, vector<128x1xf32>
      tpu.vector_store %arg15[%swap3A_210, %swap3A_211], %mul3A_209 {strides = array<i32>} : memref<1024x1xf32, #tpu.memory_space<vmem>>, vector<128x1xf32>,
      %add3A_213 = arith.constant 3 : i32
      %add3A_214 = arith.addi %mul3A_0, %add3A_213 : i32
      %get3A_215 = arith.index_cast %add3A_214 : i32 to index
      %get3A_216 = arith.constant 0 : index
      %get3A_217 = vector.load %arg3[%get3A_215, %get3A_216] : memref<10240x8xf32, #tpu.memory_space<vmem>>, vector<1x8xf32>
      %add3A_218 = arith.constant 3 : i32
      %add3A_219 = arith.addi %mul3A_0, %add3A_218 : i32
      %get3A_220 = arith.index_cast %add3A_219 : i32 to index
      %get3A_221 = arith.constant 0 : index
      %get3A_222 = vector.load %arg4[%get3A_220, %get3A_221] : memref<10240x1xi32, #tpu.memory_space<vmem>>, vector<1x1xi32>
      %sub3A_223 = vector.broadcast %get3A_217 : vector<1x8xf32> to vector<128x8xf32>
      %sub3A_224 = arith.subf %get3A_34, %sub3A_223 : vector<128x8xf32>
      %mul3A_225 = arith.mulf %sub3A_224, %sub3A_224 : vector<128x8xf32>
      %reduce_sum3A_226 = arith.constant dense<0.000000e+00> : vector<128xf32>
      %reduce_sum3A_227 = vector.multi_reduction <add>, %mul3A_225, %reduce_sum3A_226 [1] : vector<128x8xf32> to vector<128xf32>
      %broadcast_in_dim3A_228 = vector.shape_cast %reduce_sum3A_227 : vector<128xf32> to vector<128x1xf32>
      %sqrt3A_229 = math.sqrt %broadcast_in_dim3A_228 : vector<128x1xf32>
      %div3A_230 = arith.constant 5.000000e+00 : f32
      %div3A_231 = vector.broadcast %div3A_230 : f32 to vector<128x1xf32>
      %div3A_232 = arith.divf %sqrt3A_229, %div3A_231 : vector<128x1xf32>
      %jit3A_233 = arith.constant 0.000000e+00 : f32
      %jit3A_234 = arith.constant 1.000000e+00 : f32
      %max3A_235 = vector.broadcast %jit3A_233 : f32 to vector<128x1xf32>
      %max3A_236 = arith.maximumf %max3A_235, %div3A_232 : vector<128x1xf32>
      %min3A_237 = vector.broadcast %jit3A_234 : f32 to vector<128x1xf32>
      %min3A_238 = arith.minimumf %min3A_237, %max3A_236 : vector<128x1xf32>
      %mul3A_239 = arith.constant 3.14159274 : f32
      %mul3A_240 = vector.broadcast %mul3A_239 : f32 to vector<128x1xf32>
      %mul3A_241 = arith.mulf %mul3A_240, %min3A_238 : vector<128x1xf32>
      %cos3A_242 = math.cos %mul3A_241 : vector<128x1xf32>
      %add3A_243 = arith.constant 1.000000e+00 : f32
      %add3A_244 = vector.broadcast %add3A_243 : f32 to vector<128x1xf32>
      %add3A_245 = arith.addf %cos3A_242, %add3A_244 : vector<128x1xf32>
      %mul3A_246 = arith.constant 5.000000e-01 : f32
      %mul3A_247 = vector.broadcast %mul3A_246 : f32 to vector<128x1xf32>
      %mul3A_248 = arith.mulf %mul3A_247, %add3A_245 : vector<128x1xf32>
      %lt3A_249 = arith.constant 1.000000e+00 : f32
      %lt3A_250 = vector.broadcast %lt3A_249 : f32 to vector<128x1xf32>
      %lt3A_251 = arith.cmpf olt, %min3A_238, %lt3A_250 : vector<128x1xf32>
      %convert_element_type3A_252 = arith.extui %lt3A_251 : vector<128x1xi1> to vector<128x1xi32>
      %convert_element_type3A_253 = arith.sitofp %convert_element_type3A_252 : vector<128x1xi32> to vector<128x1xf32>
      %mul3A_254 = arith.mulf %mul3A_248, %convert_element_type3A_253 : vector<128x1xf32>
      %gt3A_255 = arith.constant 0.000000e+00 : f32
      %gt3A_256 = vector.broadcast %gt3A_255 : f32 to vector<128x1xf32>
      %gt3A_257 = arith.cmpf ogt, %sqrt3A_229, %gt3A_256 : vector<128x1xf32>
      %le3A_258 = arith.constant 5.000000e+00 : f32
      %le3A_259 = vector.broadcast %le3A_258 : f32 to vector<128x1xf32>
      %le3A_260 = arith.cmpf ole, %sqrt3A_229, %le3A_259 : vector<128x1xf32>
      %and3A_261 = arith.andi %gt3A_257, %le3A_260 : vector<128x1xi1>
      %eq3A_262 = vector.broadcast %get3A_222 : vector<1x1xi32> to vector<128x1xi32>
      %eq3A_263 = arith.cmpi eq, %get3A_37, %eq3A_262 : vector<128x1xi32>
      %and3A_264 = arith.andi %and3A_261, %eq3A_263 : vector<128x1xi1>
      %convert_element_type3A_265 = arith.extui %and3A_264 : vector<128x1xi1> to vector<128x1xi32>
      %convert_element_type3A_266 = arith.sitofp %convert_element_type3A_265 : vector<128x1xi32> to vector<128x1xf32>
      %swap3A_267 = arith.constant 384 : index
      %swap3A_268 = arith.constant 0 : index
      %swap3A_269 = vector.load %arg14[%swap3A_267, %swap3A_268] : memref<1024x1xf32, #tpu.memory_space<vmem>>, vector<128x1xf32>
      tpu.vector_store %arg14[%swap3A_267, %swap3A_268], %sqrt3A_229 {strides = array<i32>} : memref<1024x1xf32, #tpu.memory_space<vmem>>, vector<128x1xf32>,
      %mul3A_270 = arith.mulf %mul3A_254, %convert_element_type3A_266 : vector<128x1xf32>
      %swap3A_271 = arith.constant 384 : index
      %swap3A_272 = arith.constant 0 : index
      %swap3A_273 = vector.load %arg15[%swap3A_271, %swap3A_272] : memref<1024x1xf32, #tpu.memory_space<vmem>>, vector<128x1xf32>
      tpu.vector_store %arg15[%swap3A_271, %swap3A_272], %mul3A_270 {strides = array<i32>} : memref<1024x1xf32, #tpu.memory_space<vmem>>, vector<128x1xf32>,
      %add3A_274 = arith.constant 4 : i32
      %add3A_275 = arith.addi %mul3A_0, %add3A_274 : i32
      %get3A_276 = arith.index_cast %add3A_275 : i32 to index
      %get3A_277 = arith.constant 0 : index
      %get3A_278 = vector.load %arg3[%get3A_276, %get3A_277] : memref<10240x8xf32, #tpu.memory_space<vmem>>, vector<1x8xf32>
      %add3A_279 = arith.constant 4 : i32
      %add3A_280 = arith.addi %mul3A_0, %add3A_279 : i32
      %get3A_281 = arith.index_cast %add3A_280 : i32 to index
      %get3A_282 = arith.constant 0 : index
      %get3A_283 = vector.load %arg4[%get3A_281, %get3A_282] : memref<10240x1xi32, #tpu.memory_space<vmem>>, vector<1x1xi32>
      %sub3A_284 = vector.broadcast %get3A_278 : vector<1x8xf32> to vector<128x8xf32>
      %sub3A_285 = arith.subf %get3A_34, %sub3A_284 : vector<128x8xf32>
      %mul3A_286 = arith.mulf %sub3A_285, %sub3A_285 : vector<128x8xf32>
      %reduce_sum3A_287 = arith.constant dense<0.000000e+00> : vector<128xf32>
      %reduce_sum3A_288 = vector.multi_reduction <add>, %mul3A_286, %reduce_sum3A_287 [1] : vector<128x8xf32> to vector<128xf32>
      %broadcast_in_dim3A_289 = vector.shape_cast %reduce_sum3A_288 : vector<128xf32> to vector<128x1xf32>
      %sqrt3A_290 = math.sqrt %broadcast_in_dim3A_289 : vector<128x1xf32>
      %div3A_291 = arith.constant 5.000000e+00 : f32
      %div3A_292 = vector.broadcast %div3A_291 : f32 to vector<128x1xf32>
      %div3A_293 = arith.divf %sqrt3A_290, %div3A_292 : vector<128x1xf32>
      %jit3A_294 = arith.constant 0.000000e+00 : f32
      %jit3A_295 = arith.constant 1.000000e+00 : f32
      %max3A_296 = vector.broadcast %jit3A_294 : f32 to vector<128x1xf32>
      %max3A_297 = arith.maximumf %max3A_296, %div3A_293 : vector<128x1xf32>
      %min3A_298 = vector.broadcast %jit3A_295 : f32 to vector<128x1xf32>
      %min3A_299 = arith.minimumf %min3A_298, %max3A_297 : vector<128x1xf32>
      %mul3A_300 = arith.constant 3.14159274 : f32
      %mul3A_301 = vector.broadcast %mul3A_300 : f32 to vector<128x1xf32>
      %mul3A_302 = arith.mulf %mul3A_301, %min3A_299 : vector<128x1xf32>
      %cos3A_303 = math.cos %mul3A_302 : vector<128x1xf32>
      %add3A_304 = arith.constant 1.000000e+00 : f32
      %add3A_305 = vector.broadcast %add3A_304 : f32 to vector<128x1xf32>
      %add3A_306 = arith.addf %cos3A_303, %add3A_305 : vector<128x1xf32>
      %mul3A_307 = arith.constant 5.000000e-01 : f32
      %mul3A_308 = vector.broadcast %mul3A_307 : f32 to vector<128x1xf32>
      %mul3A_309 = arith.mulf %mul3A_308, %add3A_306 : vector<128x1xf32>
      %lt3A_310 = arith.constant 1.000000e+00 : f32
      %lt3A_311 = vector.broadcast %lt3A_310 : f32 to vector<128x1xf32>
      %lt3A_312 = arith.cmpf olt, %min3A_299, %lt3A_311 : vector<128x1xf32>
      %convert_element_type3A_313 = arith.extui %lt3A_312 : vector<128x1xi1> to vector<128x1xi32>
      %convert_element_type3A_314 = arith.sitofp %convert_element_type3A_313 : vector<128x1xi32> to vector<128x1xf32>
      %mul3A_315 = arith.mulf %mul3A_309, %convert_element_type3A_314 : vector<128x1xf32>
      %gt3A_316 = arith.constant 0.000000e+00 : f32
      %gt3A_317 = vector.broadcast %gt3A_316 : f32 to vector<128x1xf32>
      %gt3A_318 = arith.cmpf ogt, %sqrt3A_290, %gt3A_317 : vector<128x1xf32>
      %le3A_319 = arith.constant 5.000000e+00 : f32
      %le3A_320 = vector.broadcast %le3A_319 : f32 to vector<128x1xf32>
      %le3A_321 = arith.cmpf ole, %sqrt3A_290, %le3A_320 : vector<128x1xf32>
      %and3A_322 = arith.andi %gt3A_318, %le3A_321 : vector<128x1xi1>
      %eq3A_323 = vector.broadcast %get3A_283 : vector<1x1xi32> to vector<128x1xi32>
      %eq3A_324 = arith.cmpi eq, %get3A_37, %eq3A_323 : vector<128x1xi32>
      %and3A_325 = arith.andi %and3A_322, %eq3A_324 : vector<128x1xi1>
      %convert_element_type3A_326 = arith.extui %and3A_325 : vector<128x1xi1> to vector<128x1xi32>
      %convert_element_type3A_327 = arith.sitofp %convert_element_type3A_326 : vector<128x1xi32> to vector<128x1xf32>
      %swap3A_328 = arith.constant 512 : index
      %swap3A_329 = arith.constant 0 : index
      %swap3A_330 = vector.load %arg14[%swap3A_328, %swap3A_329] : memref<1024x1xf32, #tpu.memory_space<vmem>>, vector<128x1xf32>
      tpu.vector_store %arg14[%swap3A_328, %swap3A_329], %sqrt3A_290 {strides = array<i32>} : memref<1024x1xf32, #tpu.memory_space<vmem>>, vector<128x1xf32>,
      %mul3A_331 = arith.mulf %mul3A_315, %convert_element_type3A_327 : vector<128x1xf32>
      %swap3A_332 = arith.constant 512 : index
      %swap3A_333 = arith.constant 0 : index
      %swap3A_334 = vector.load %arg15[%swap3A_332, %swap3A_333] : memref<1024x1xf32, #tpu.memory_space<vmem>>, vector<128x1xf32>
      tpu.vector_store %arg15[%swap3A_332, %swap3A_333], %mul3A_331 {strides = array<i32>} : memref<1024x1xf32, #tpu.memory_space<vmem>>, vector<128x1xf32>,
      %add3A_335 = arith.constant 5 : i32
      %add3A_336 = arith.addi %mul3A_0, %add3A_335 : i32
      %get3A_337 = arith.index_cast %add3A_336 : i32 to index
      %get3A_338 = arith.constant 0 : index
      %get3A_339 = vector.load %arg3[%get3A_337, %get3A_338] : memref<10240x8xf32, #tpu.memory_space<vmem>>, vector<1x8xf32>
      %add3A_340 = arith.constant 5 : i32
      %add3A_341 = arith.addi %mul3A_0, %add3A_340 : i32
      %get3A_342 = arith.index_cast %add3A_341 : i32 to index
      %get3A_343 = arith.constant 0 : index
      %get3A_344 = vector.load %arg4[%get3A_342, %get3A_343] : memref<10240x1xi32, #tpu.memory_space<vmem>>, vector<1x1xi32>
      %sub3A_345 = vector.broadcast %get3A_339 : vector<1x8xf32> to vector<128x8xf32>
      %sub3A_346 = arith.subf %get3A_34, %sub3A_345 : vector<128x8xf32>
      %mul3A_347 = arith.mulf %sub3A_346, %sub3A_346 : vector<128x8xf32>
      %reduce_sum3A_348 = arith.constant dense<0.000000e+00> : vector<128xf32>
      %reduce_sum3A_349 = vector.multi_reduction <add>, %mul3A_347, %reduce_sum3A_348 [1] : vector<128x8xf32> to vector<128xf32>
      %broadcast_in_dim3A_350 = vector.shape_cast %reduce_sum3A_349 : vector<128xf32> to vector<128x1xf32>
      %sqrt3A_351 = math.sqrt %broadcast_in_dim3A_350 : vector<128x1xf32>
      %div3A_352 = arith.constant 5.000000e+00 : f32
      %div3A_353 = vector.broadcast %div3A_352 : f32 to vector<128x1xf32>
      %div3A_354 = arith.divf %sqrt3A_351, %div3A_353 : vector<128x1xf32>
      %jit3A_355 = arith.constant 0.000000e+00 : f32
      %jit3A_356 = arith.constant 1.000000e+00 : f32
      %max3A_357 = vector.broadcast %jit3A_355 : f32 to vector<128x1xf32>
      %max3A_358 = arith.maximumf %max3A_357, %div3A_354 : vector<128x1xf32>
      %min3A_359 = vector.broadcast %jit3A_356 : f32 to vector<128x1xf32>
      %min3A_360 = arith.minimumf %min3A_359, %max3A_358 : vector<128x1xf32>
      %mul3A_361 = arith.constant 3.14159274 : f32
      %mul3A_362 = vector.broadcast %mul3A_361 : f32 to vector<128x1xf32>
      %mul3A_363 = arith.mulf %mul3A_362, %min3A_360 : vector<128x1xf32>
      %cos3A_364 = math.cos %mul3A_363 : vector<128x1xf32>
      %add3A_365 = arith.constant 1.000000e+00 : f32
      %add3A_366 = vector.broadcast %add3A_365 : f32 to vector<128x1xf32>
      %add3A_367 = arith.addf %cos3A_364, %add3A_366 : vector<128x1xf32>
      %mul3A_368 = arith.constant 5.000000e-01 : f32
      %mul3A_369 = vector.broadcast %mul3A_368 : f32 to vector<128x1xf32>
      %mul3A_370 = arith.mulf %mul3A_369, %add3A_367 : vector<128x1xf32>
      %lt3A_371 = arith.constant 1.000000e+00 : f32
      %lt3A_372 = vector.broadcast %lt3A_371 : f32 to vector<128x1xf32>
      %lt3A_373 = arith.cmpf olt, %min3A_360, %lt3A_372 : vector<128x1xf32>
      %convert_element_type3A_374 = arith.extui %lt3A_373 : vector<128x1xi1> to vector<128x1xi32>
      %convert_element_type3A_375 = arith.sitofp %convert_element_type3A_374 : vector<128x1xi32> to vector<128x1xf32>
      %mul3A_376 = arith.mulf %mul3A_370, %convert_element_type3A_375 : vector<128x1xf32>
      %gt3A_377 = arith.constant 0.000000e+00 : f32
      %gt3A_378 = vector.broadcast %gt3A_377 : f32 to vector<128x1xf32>
      %gt3A_379 = arith.cmpf ogt, %sqrt3A_351, %gt3A_378 : vector<128x1xf32>
      %le3A_380 = arith.constant 5.000000e+00 : f32
      %le3A_381 = vector.broadcast %le3A_380 : f32 to vector<128x1xf32>
      %le3A_382 = arith.cmpf ole, %sqrt3A_351, %le3A_381 : vector<128x1xf32>
      %and3A_383 = arith.andi %gt3A_379, %le3A_382 : vector<128x1xi1>
      %eq3A_384 = vector.broadcast %get3A_344 : vector<1x1xi32> to vector<128x1xi32>
      %eq3A_385 = arith.cmpi eq, %get3A_37, %eq3A_384 : vector<128x1xi32>
      %and3A_386 = arith.andi %and3A_383, %eq3A_385 : vector<128x1xi1>
      %convert_element_type3A_387 = arith.extui %and3A_386 : vector<128x1xi1> to vector<128x1xi32>
      %convert_element_type3A_388 = arith.sitofp %convert_element_type3A_387 : vector<128x1xi32> to vector<128x1xf32>
      %swap3A_389 = arith.constant 640 : index
      %swap3A_390 = arith.constant 0 : index
      %swap3A_391 = vector.load %arg14[%swap3A_389, %swap3A_390] : memref<1024x1xf32, #tpu.memory_space<vmem>>, vector<128x1xf32>
      tpu.vector_store %arg14[%swap3A_389, %swap3A_390], %sqrt3A_351 {strides = array<i32>} : memref<1024x1xf32, #tpu.memory_space<vmem>>, vector<128x1xf32>,
      %mul3A_392 = arith.mulf %mul3A_376, %convert_element_type3A_388 : vector<128x1xf32>
      %swap3A_393 = arith.constant 640 : index
      %swap3A_394 = arith.constant 0 : index
      %swap3A_395 = vector.load %arg15[%swap3A_393, %swap3A_394] : memref<1024x1xf32, #tpu.memory_space<vmem>>, vector<128x1xf32>
      tpu.vector_store %arg15[%swap3A_393, %swap3A_394], %mul3A_392 {strides = array<i32>} : memref<1024x1xf32, #tpu.memory_space<vmem>>, vector<128x1xf32>,
      %add3A_396 = arith.constant 6 : i32
      %add3A_397 = arith.addi %mul3A_0, %add3A_396 : i32
      %get3A_398 = arith.index_cast %add3A_397 : i32 to index
      %get3A_399 = arith.constant 0 : index
      %get3A_400 = vector.load %arg3[%get3A_398, %get3A_399] : memref<10240x8xf32, #tpu.memory_space<vmem>>, vector<1x8xf32>
      %add3A_401 = arith.constant 6 : i32
      %add3A_402 = arith.addi %mul3A_0, %add3A_401 : i32
      %get3A_403 = arith.index_cast %add3A_402 : i32 to index
      %get3A_404 = arith.constant 0 : index
      %get3A_405 = vector.load %arg4[%get3A_403, %get3A_404] : memref<10240x1xi32, #tpu.memory_space<vmem>>, vector<1x1xi32>
      %sub3A_406 = vector.broadcast %get3A_400 : vector<1x8xf32> to vector<128x8xf32>
      %sub3A_407 = arith.subf %get3A_34, %sub3A_406 : vector<128x8xf32>
      %mul3A_408 = arith.mulf %sub3A_407, %sub3A_407 : vector<128x8xf32>
      %reduce_sum3A_409 = arith.constant dense<0.000000e+00> : vector<128xf32>
      %reduce_sum3A_410 = vector.multi_reduction <add>, %mul3A_408, %reduce_sum3A_409 [1] : vector<128x8xf32> to vector<128xf32>
      %broadcast_in_dim3A_411 = vector.shape_cast %reduce_sum3A_410 : vector<128xf32> to vector<128x1xf32>
      %sqrt3A_412 = math.sqrt %broadcast_in_dim3A_411 : vector<128x1xf32>
      %div3A_413 = arith.constant 5.000000e+00 : f32
      %div3A_414 = vector.broadcast %div3A_413 : f32 to vector<128x1xf32>
      %div3A_415 = arith.divf %sqrt3A_412, %div3A_414 : vector<128x1xf32>
      %jit3A_416 = arith.constant 0.000000e+00 : f32
      %jit3A_417 = arith.constant 1.000000e+00 : f32
      %max3A_418 = vector.broadcast %jit3A_416 : f32 to vector<128x1xf32>
      %max3A_419 = arith.maximumf %max3A_418, %div3A_415 : vector<128x1xf32>
      %min3A_420 = vector.broadcast %jit3A_417 : f32 to vector<128x1xf32>
      %min3A_421 = arith.minimumf %min3A_420, %max3A_419 : vector<128x1xf32>
      %mul3A_422 = arith.constant 3.14159274 : f32
      %mul3A_423 = vector.broadcast %mul3A_422 : f32 to vector<128x1xf32>
      %mul3A_424 = arith.mulf %mul3A_423, %min3A_421 : vector<128x1xf32>
      %cos3A_425 = math.cos %mul3A_424 : vector<128x1xf32>
      %add3A_426 = arith.constant 1.000000e+00 : f32
      %add3A_427 = vector.broadcast %add3A_426 : f32 to vector<128x1xf32>
      %add3A_428 = arith.addf %cos3A_425, %add3A_427 : vector<128x1xf32>
      %mul3A_429 = arith.constant 5.000000e-01 : f32
      %mul3A_430 = vector.broadcast %mul3A_429 : f32 to vector<128x1xf32>
      %mul3A_431 = arith.mulf %mul3A_430, %add3A_428 : vector<128x1xf32>
      %lt3A_432 = arith.constant 1.000000e+00 : f32
      %lt3A_433 = vector.broadcast %lt3A_432 : f32 to vector<128x1xf32>
      %lt3A_434 = arith.cmpf olt, %min3A_421, %lt3A_433 : vector<128x1xf32>
      %convert_element_type3A_435 = arith.extui %lt3A_434 : vector<128x1xi1> to vector<128x1xi32>
      %convert_element_type3A_436 = arith.sitofp %convert_element_type3A_435 : vector<128x1xi32> to vector<128x1xf32>
      %mul3A_437 = arith.mulf %mul3A_431, %convert_element_type3A_436 : vector<128x1xf32>
      %gt3A_438 = arith.constant 0.000000e+00 : f32
      %gt3A_439 = vector.broadcast %gt3A_438 : f32 to vector<128x1xf32>
      %gt3A_440 = arith.cmpf ogt, %sqrt3A_412, %gt3A_439 : vector<128x1xf32>
      %le3A_441 = arith.constant 5.000000e+00 : f32
      %le3A_442 = vector.broadcast %le3A_441 : f32 to vector<128x1xf32>
      %le3A_443 = arith.cmpf ole, %sqrt3A_412, %le3A_442 : vector<128x1xf32>
      %and3A_444 = arith.andi %gt3A_440, %le3A_443 : vector<128x1xi1>
      %eq3A_445 = vector.broadcast %get3A_405 : vector<1x1xi32> to vector<128x1xi32>
      %eq3A_446 = arith.cmpi eq, %get3A_37, %eq3A_445 : vector<128x1xi32>
      %and3A_447 = arith.andi %and3A_444, %eq3A_446 : vector<128x1xi1>
      %convert_element_type3A_448 = arith.extui %and3A_447 : vector<128x1xi1> to vector<128x1xi32>
      %convert_element_type3A_449 = arith.sitofp %convert_element_type3A_448 : vector<128x1xi32> to vector<128x1xf32>
      %swap3A_450 = arith.constant 768 : index
      %swap3A_451 = arith.constant 0 : index
      %swap3A_452 = vector.load %arg14[%swap3A_450, %swap3A_451] : memref<1024x1xf32, #tpu.memory_space<vmem>>, vector<128x1xf32>
      tpu.vector_store %arg14[%swap3A_450, %swap3A_451], %sqrt3A_412 {strides = array<i32>} : memref<1024x1xf32, #tpu.memory_space<vmem>>, vector<128x1xf32>,
      %mul3A_453 = arith.mulf %mul3A_437, %convert_element_type3A_449 : vector<128x1xf32>
      %swap3A_454 = arith.constant 768 : index
      %swap3A_455 = arith.constant 0 : index
      %swap3A_456 = vector.load %arg15[%swap3A_454, %swap3A_455] : memref<1024x1xf32, #tpu.memory_space<vmem>>, vector<128x1xf32>
      tpu.vector_store %arg15[%swap3A_454, %swap3A_455], %mul3A_453 {strides = array<i32>} : memref<1024x1xf32, #tpu.memory_space<vmem>>, vector<128x1xf32>,
      %add3A_457 = arith.constant 7 : i32
      %add3A_458 = arith.addi %mul3A_0, %add3A_457 : i32
      %get3A_459 = arith.index_cast %add3A_458 : i32 to index
      %get3A_460 = arith.constant 0 : index
      %get3A_461 = vector.load %arg3[%get3A_459, %get3A_460] : memref<10240x8xf32, #tpu.memory_space<vmem>>, vector<1x8xf32>
      %add3A_462 = arith.constant 7 : i32
      %add3A_463 = arith.addi %mul3A_0, %add3A_462 : i32
      %get3A_464 = arith.index_cast %add3A_463 : i32 to index
      %get3A_465 = arith.constant 0 : index
      %get3A_466 = vector.load %arg4[%get3A_464, %get3A_465] : memref<10240x1xi32, #tpu.memory_space<vmem>>, vector<1x1xi32>
      %sub3A_467 = vector.broadcast %get3A_461 : vector<1x8xf32> to vector<128x8xf32>
      %sub3A_468 = arith.subf %get3A_34, %sub3A_467 : vector<128x8xf32>
      %mul3A_469 = arith.mulf %sub3A_468, %sub3A_468 : vector<128x8xf32>
      %reduce_sum3A_470 = arith.constant dense<0.000000e+00> : vector<128xf32>
      %reduce_sum3A_471 = vector.multi_reduction <add>, %mul3A_469, %reduce_sum3A_470 [1] : vector<128x8xf32> to vector<128xf32>
      %broadcast_in_dim3A_472 = vector.shape_cast %reduce_sum3A_471 : vector<128xf32> to vector<128x1xf32>
      %sqrt3A_473 = math.sqrt %broadcast_in_dim3A_472 : vector<128x1xf32>
      %div3A_474 = arith.constant 5.000000e+00 : f32
      %div3A_475 = vector.broadcast %div3A_474 : f32 to vector<128x1xf32>
      %div3A_476 = arith.divf %sqrt3A_473, %div3A_475 : vector<128x1xf32>
      %jit3A_477 = arith.constant 0.000000e+00 : f32
      %jit3A_478 = arith.constant 1.000000e+00 : f32
      %max3A_479 = vector.broadcast %jit3A_477 : f32 to vector<128x1xf32>
      %max3A_480 = arith.maximumf %max3A_479, %div3A_476 : vector<128x1xf32>
      %min3A_481 = vector.broadcast %jit3A_478 : f32 to vector<128x1xf32>
      %min3A_482 = arith.minimumf %min3A_481, %max3A_480 : vector<128x1xf32>
      %mul3A_483 = arith.constant 3.14159274 : f32
      %mul3A_484 = vector.broadcast %mul3A_483 : f32 to vector<128x1xf32>
      %mul3A_485 = arith.mulf %mul3A_484, %min3A_482 : vector<128x1xf32>
      %cos3A_486 = math.cos %mul3A_485 : vector<128x1xf32>
      %add3A_487 = arith.constant 1.000000e+00 : f32
      %add3A_488 = vector.broadcast %add3A_487 : f32 to vector<128x1xf32>
      %add3A_489 = arith.addf %cos3A_486, %add3A_488 : vector<128x1xf32>
      %mul3A_490 = arith.constant 5.000000e-01 : f32
      %mul3A_491 = vector.broadcast %mul3A_490 : f32 to vector<128x1xf32>
      %mul3A_492 = arith.mulf %mul3A_491, %add3A_489 : vector<128x1xf32>
      %lt3A_493 = arith.constant 1.000000e+00 : f32
      %lt3A_494 = vector.broadcast %lt3A_493 : f32 to vector<128x1xf32>
      %lt3A_495 = arith.cmpf olt, %min3A_482, %lt3A_494 : vector<128x1xf32>
      %convert_element_type3A_496 = arith.extui %lt3A_495 : vector<128x1xi1> to vector<128x1xi32>
      %convert_element_type3A_497 = arith.sitofp %convert_element_type3A_496 : vector<128x1xi32> to vector<128x1xf32>
      %mul3A_498 = arith.mulf %mul3A_492, %convert_element_type3A_497 : vector<128x1xf32>
      %gt3A_499 = arith.constant 0.000000e+00 : f32
      %gt3A_500 = vector.broadcast %gt3A_499 : f32 to vector<128x1xf32>
      %gt3A_501 = arith.cmpf ogt, %sqrt3A_473, %gt3A_500 : vector<128x1xf32>
      %le3A_502 = arith.constant 5.000000e+00 : f32
      %le3A_503 = vector.broadcast %le3A_502 : f32 to vector<128x1xf32>
      %le3A_504 = arith.cmpf ole, %sqrt3A_473, %le3A_503 : vector<128x1xf32>
      %and3A_505 = arith.andi %gt3A_501, %le3A_504 : vector<128x1xi1>
      %eq3A_506 = vector.broadcast %get3A_466 : vector<1x1xi32> to vector<128x1xi32>
      %eq3A_507 = arith.cmpi eq, %get3A_37, %eq3A_506 : vector<128x1xi32>
      %and3A_508 = arith.andi %and3A_505, %eq3A_507 : vector<128x1xi1>
      %convert_element_type3A_509 = arith.extui %and3A_508 : vector<128x1xi1> to vector<128x1xi32>
      %convert_element_type3A_510 = arith.sitofp %convert_element_type3A_509 : vector<128x1xi32> to vector<128x1xf32>
      %swap3A_511 = arith.constant 896 : index
      %swap3A_512 = arith.constant 0 : index
      %swap3A_513 = vector.load %arg14[%swap3A_511, %swap3A_512] : memref<1024x1xf32, #tpu.memory_space<vmem>>, vector<128x1xf32>
      tpu.vector_store %arg14[%swap3A_511, %swap3A_512], %sqrt3A_473 {strides = array<i32>} : memref<1024x1xf32, #tpu.memory_space<vmem>>, vector<128x1xf32>,
      %mul3A_514 = arith.mulf %mul3A_498, %convert_element_type3A_510 : vector<128x1xf32>
      %swap3A_515 = arith.constant 896 : index
      %swap3A_516 = arith.constant 0 : index
      %swap3A_517 = vector.load %arg15[%swap3A_515, %swap3A_516] : memref<1024x1xf32, #tpu.memory_space<vmem>>, vector<128x1xf32>
      tpu.vector_store %arg15[%swap3A_515, %swap3A_516], %mul3A_514 {strides = array<i32>} : memref<1024x1xf32, #tpu.memory_space<vmem>>, vector<128x1xf32>,
      %neg3A = arith.constant 0.000000e+00 : f32
      %neg3A_518 = arith.subf %neg3A, %get3A_8 : f32
      %get3A_519 = arith.constant 0 : index
      %get3A_520 = arith.constant 0 : index
      %get3A_521 = vector.load %arg14[%get3A_519, %get3A_520] : memref<1024x1xf32, #tpu.memory_space<vmem>>, vector<1024x1xf32>
      %sub3A_522 = vector.broadcast %get3A_521 : vector<1024x1xf32> to vector<1024x64xf32>
      %sub3A_523 = vector.broadcast %get3A_14 : vector<1x64xf32> to vector<1024x64xf32>
      %sub3A_524 = arith.subf %sub3A_522, %sub3A_523 : vector<1024x64xf32>
      %integer_pow3A = arith.mulf %sub3A_524, %sub3A_524 : vector<1024x64xf32>
      %mul3A_525 = vector.broadcast %neg3A_518 : f32 to vector<1024x64xf32>
      %mul3A_526 = arith.mulf %mul3A_525, %integer_pow3A : vector<1024x64xf32>
      %exp3A = math.exp %mul3A_526 : vector<1024x64xf32>
      %get3A_527 = arith.constant 0 : index
      %get3A_528 = arith.constant 0 : index
      %get3A_529 = vector.load %arg7[%get3A_527, %get3A_528] : memref<64x128xf32, #tpu.memory_space<vmem>>, vector<64x128xf32>
      %dot_general3A_530 = arith.constant dense<0.000000e+00> : vector<1024x128xf32>
      %dot_general3A_531 = tpu.matmul %exp3A, %get3A_529, %dot_general3A_530 {dimension_numbers = #tpu.dot_dimension_numbers<[1], [0], [0], [1], [0, 0, 1, 1], [], []>, transpose_lhs_hint = false} : vector<1024x64xf32>, vector<64x128xf32>, vector<1024x128xf32> -> vector<1024x128xf32>
      %get3A_532 = arith.constant 0 : index
      %get3A_533 = arith.constant 0 : index
      %get3A_534 = vector.load %arg8[%get3A_532, %get3A_533] : memref<1x128xf32, #tpu.memory_space<vmem>>, vector<1x128xf32>
      %add3A_535 = vector.broadcast %get3A_534 : vector<1x128xf32> to vector<1024x128xf32>
      %add3A_536 = arith.addf %dot_general3A_531, %add3A_535 : vector<1024x128xf32>
      %logistic3A = arith.negf %add3A_536 : vector<1024x128xf32>
      %logistic3A_537 = math.exp %logistic3A : vector<1024x128xf32>
      %logistic3A_538 = arith.constant 1.000000e+00 : f32
      %logistic3A_539 = vector.broadcast %logistic3A_538 : f32 to vector<1024x128xf32>
      %logistic3A_540 = arith.addf %logistic3A_539, %logistic3A_537 : vector<1024x128xf32>
      %logistic3A_541 = arith.divf %logistic3A_539, %logistic3A_540 : vector<1024x128xf32>
      %mul3A_542 = arith.mulf %add3A_536, %logistic3A_541 : vector<1024x128xf32>
      %get3A_543 = arith.constant 0 : index
      %get3A_544 = arith.constant 0 : index
      %get3A_545 = vector.load %arg9[%get3A_543, %get3A_544] : memref<128x128xf32, #tpu.memory_space<vmem>>, vector<128x128xf32>
      %dot_general3A_546 = arith.constant dense<0.000000e+00> : vector<1024x128xf32>
      %dot_general3A_547 = tpu.matmul %mul3A_542, %get3A_545, %dot_general3A_546 {dimension_numbers = #tpu.dot_dimension_numbers<[1], [0], [0], [1], [0, 0, 1, 1], [], []>, transpose_lhs_hint = false} : vector<1024x128xf32>, vector<128x128xf32>, vector<1024x128xf32> -> vector<1024x128xf32>
      %get3A_548 = arith.constant 0 : index
      %get3A_549 = arith.constant 0 : index
      %get3A_550 = vector.load %arg10[%get3A_548, %get3A_549] : memref<1x128xf32, #tpu.memory_space<vmem>>, vector<1x128xf32>
      %add3A_551 = vector.broadcast %get3A_550 : vector<1x128xf32> to vector<1024x128xf32>
      %add3A_552 = arith.addf %dot_general3A_547, %add3A_551 : vector<1024x128xf32>
      %get3A_553 = arith.constant 0 : index
      %get3A_554 = arith.constant 0 : index
      %get3A_555 = vector.load %arg15[%get3A_553, %get3A_554] : memref<1024x1xf32, #tpu.memory_space<vmem>>, vector<1024x1xf32>
      %mul3A_556 = vector.broadcast %get3A_555 : vector<1024x1xf32> to vector<1024x128xf32>
      %mul3A_557 = arith.mulf %add3A_552, %mul3A_556 : vector<1024x128xf32>
      %reshape3A = vector.shape_cast %mul3A_557 : vector<1024x128xf32> to vector<8x128x128xf32>
      %get3A_558 = arith.constant 0 : index
      %get3A_559 = arith.constant 0 : index
      %get3A_560 = vector.load %arg13[%get3A_558, %get3A_559] : memref<8x128xf32, #tpu.memory_space<vmem>>, vector<8x128xf32>
      %reshape3A_561 = vector.shape_cast %dot_general3A_44 : vector<128x128xf32> to vector<1x128x128xf32>
      %mul3A_562 = vector.broadcast %reshape3A_561 : vector<1x128x128xf32> to vector<8x128x128xf32>
      %mul3A_563 = arith.mulf %reshape3A, %mul3A_562 : vector<8x128x128xf32>
      %reduce_sum3A_564 = arith.constant dense<0.000000e+00> : vector<8x128xf32>
      %reduce_sum3A_565 = vector.multi_reduction <add>, %mul3A_563, %reduce_sum3A_564 [1] : vector<8x128x128xf32> to vector<8x128xf32>
      %add3A_566 = arith.addf %get3A_560, %reduce_sum3A_565 : vector<8x128xf32>
      %swap3A_567 = arith.constant 0 : index
      %swap3A_568 = arith.constant 0 : index
      %swap3A_569 = vector.load %arg13[%swap3A_567, %swap3A_568] : memref<8x128xf32, #tpu.memory_space<vmem>>, vector<8x128xf32>
      tpu.vector_store %arg13[%swap3A_567, %swap3A_568], %add3A_566 {strides = array<i32>} : memref<8x128xf32, #tpu.memory_space<vmem>>, vector<8x128xf32>,
    }
    %get3A_23 = arith.constant 0 : index
    %get3A_24 = arith.constant 0 : index
    %get3A_25 = vector.load %arg13[%get3A_23, %get3A_24] : memref<8x128xf32, #tpu.memory_space<vmem>>, vector<8x128xf32>
    %swap3A_26 = arith.constant 0 : index
    %swap3A_27 = arith.constant 0 : index
    %swap3A_28 = vector.load %arg12[%swap3A_26, %swap3A_27] : memref<8x128xf32, #tpu.memory_space<vmem>>, vector<8x128xf32>
    tpu.vector_store %arg12[%swap3A_26, %swap3A_27], %get3A_25 {strides = array<i32>} : memref<8x128xf32, #tpu.memory_space<vmem>>, vector<8x128xf32>,
    return
  }
  func.func @transform_0(%arg0: i32) -> (i32, i32) {
    %c0_i32 = arith.constant 0 : i32
    %c0_i32_0 = arith.constant 0 : i32
    %c0_i32_1 = arith.constant 0 : i32
    return %c0_i32, %c0_i32_0 : i32, i32
  }
  func.func @transform_1(%arg0: i32) -> (i32, i32) {
    %c0_i32 = arith.constant 0 : i32
    %c0_i32_0 = arith.constant 0 : i32
    %c0_i32_1 = arith.constant 0 : i32
    return %c0_i32, %c0_i32_0 : i32, i32
  }
  func.func @transform_2(%arg0: i32) -> (i32, i32) {
    %c0_i32 = arith.constant 0 : i32
    %c0_i32_0 = arith.constant 0 : i32
    %c0_i32_1 = arith.constant 0 : i32
    return %c0_i32, %c0_i32_0 : i32, i32
  }
  func.func @transform_3(%arg0: i32) -> (i32, i32) {
    %c0_i32 = arith.constant 0 : i32
    %c0_i32_0 = arith.constant 0 : i32
    %c0_i32_1 = arith.constant 0 : i32
    return %c0_i32, %c0_i32_0 : i32, i32
  }
  func.func @transform_4(%arg0: i32) -> (i32, i32) {
    %c0_i32 = arith.constant 0 : i32
    %c0_i32_0 = arith.constant 0 : i32
    %c0_i32_1 = arith.constant 0 : i32
    return %c0_i32, %c0_i32_0 : i32, i32
  }
  func.func @transform_5(%arg0: i32) -> (i32, i32) {
    %c0_i32 = arith.constant 0 : i32
    %c0_i32_0 = arith.constant 0 : i32
    %c0_i32_1 = arith.constant 0 : i32
    return %c0_i32, %c0_i32_0 : i32, i32
  }
  func.func @transform_6(%arg0: i32) -> (i32, i32) {
    %c0_i32 = arith.constant 0 : i32
    %c0_i32_0 = arith.constant 0 : i32
    %c0_i32_1 = arith.constant 0 : i32
    return %c0_i32, %c0_i32_0 : i32, i32
  }
  func.func @transform_7(%arg0: i32) -> (i32, i32) {
    %c0_i32 = arith.constant 0 : i32
    %c0_i32_0 = arith.constant 0 : i32
    %c0_i32_1 = arith.constant 0 : i32
    return %c0_i32, %c0_i32_0 : i32, i32
  }
  func.func @transform_8(%arg0: i32) -> (i32, i32) {
    %c0_i32 = arith.constant 0 : i32
    %c0_i32_0 = arith.constant 0 : i32
    %c0_i32_1 = arith.constant 0 : i32
    return %c0_i32, %c0_i32_0 : i32, i32
  }
  func.func @transform_9(%arg0: i32) -> (i32, i32) {
    %c0_i32 = arith.constant 0 : i32
    %c0_i32_0 = arith.constant 0 : i32
    %c0_i32_1 = arith.constant 0 : i32
    return %c0_i32, %c0_i32_0 : i32, i32
  }
  func.func @transform_10(%arg0: i32) -> (i32, i32) {
    %c0_i32 = arith.constant 0 : i32
    %c0_i32_0 = arith.constant 0 : i32
    %c0_i32_1 = arith.constant 0 : i32
    return %c0_i32, %c0_i32_0 : i32, i32
  }
  func.func @transform_11(%arg0: i32) -> (i32, i32) {
    %c0_i32 = arith.constant 0 : i32
    %c0_i32_0 = arith.constant 0 : i32
    return %arg0, %c0_i32 : i32, i32
  }
}

module attributes {stable_mosaic.version = 14 : i64} {
  func.func @_update_body(%arg0: i32, %arg1: memref<1024x128xf32, #tpu.memory_space<vmem>>, %arg2: memref<1024x128xf32, #tpu.memory_space<vmem>>, %arg3: memref<128x128xf32, #tpu.memory_space<vmem>>, %arg4: memref<1x128xf32, #tpu.memory_space<vmem>>, %arg5: memref<1024x128xf32, #tpu.memory_space<vmem>>) attributes {dimension_semantics = [#tpu.dimension_semantics<arbitrary>], iteration_bounds = array<i64: 10>, scalar_prefetch = 0 : i64, scratch_operands = 0 : i64, tpu.core_type = #tpu.core_type<tc>, window_params = [{transform_indices = @transform_0, window_bounds = array<i64: 1024, 128>}, {transform_indices = @transform_1, window_bounds = array<i64: 1024, 128>}, {pipeline_mode = #tpu.pipeline_mode<synchronous>, transform_indices = @transform_2, window_bounds = array<i64: 128, 128>}, {pipeline_mode = #tpu.pipeline_mode<synchronous>, transform_indices = @transform_3, window_bounds = array<i64: 1, 128>}, {transform_indices = @transform_4, window_bounds = array<i64: 1024, 128>}]} {
    %get3A = arith.constant 0 : index
    %get3A_0 = arith.constant 0 : index
    %get3A_1 = vector.load %arg1[%get3A, %get3A_0] : memref<1024x128xf32, #tpu.memory_space<vmem>>, vector<1024x128xf32>
    %logistic3A = arith.negf %get3A_1 : vector<1024x128xf32>
    %logistic3A_2 = math.exp %logistic3A : vector<1024x128xf32>
    %logistic3A_3 = arith.constant 1.000000e+00 : f32
    %logistic3A_4 = vector.broadcast %logistic3A_3 : f32 to vector<1024x128xf32>
    %logistic3A_5 = arith.addf %logistic3A_4, %logistic3A_2 : vector<1024x128xf32>
    %logistic3A_6 = arith.divf %logistic3A_4, %logistic3A_5 : vector<1024x128xf32>
    %mul3A = arith.mulf %get3A_1, %logistic3A_6 : vector<1024x128xf32>
    %get3A_7 = arith.constant 0 : index
    %get3A_8 = arith.constant 0 : index
    %get3A_9 = vector.load %arg2[%get3A_7, %get3A_8] : memref<1024x128xf32, #tpu.memory_space<vmem>>, vector<1024x128xf32>
    %get3A_10 = arith.constant 0 : index
    %get3A_11 = arith.constant 0 : index
    %get3A_12 = vector.load %arg3[%get3A_10, %get3A_11] : memref<128x128xf32, #tpu.memory_space<vmem>>, vector<128x128xf32>
    %dot_general3A = arith.constant dense<0.000000e+00> : vector<1024x128xf32>
    %dot_general3A_13 = tpu.matmul %mul3A, %get3A_12, %dot_general3A {dimension_numbers = #tpu.dot_dimension_numbers<[1], [0], [0], [1], [0, 0, 1, 1], [], []>, transpose_lhs_hint = false} : vector<1024x128xf32>, vector<128x128xf32>, vector<1024x128xf32> -> vector<1024x128xf32>
    %add3A = arith.addf %get3A_9, %dot_general3A_13 : vector<1024x128xf32>
    %get3A_14 = arith.constant 0 : index
    %get3A_15 = arith.constant 0 : index
    %get3A_16 = vector.load %arg4[%get3A_14, %get3A_15] : memref<1x128xf32, #tpu.memory_space<vmem>>, vector<1x128xf32>
    %add3A_17 = vector.broadcast %get3A_16 : vector<1x128xf32> to vector<1024x128xf32>
    %add3A_18 = arith.addf %add3A, %add3A_17 : vector<1024x128xf32>
    %swap3A = arith.constant 0 : index
    %swap3A_19 = arith.constant 0 : index
    %swap3A_20 = vector.load %arg5[%swap3A, %swap3A_19] : memref<1024x128xf32, #tpu.memory_space<vmem>>, vector<1024x128xf32>
    tpu.vector_store %arg5[%swap3A, %swap3A_19], %add3A_18 {strides = array<i32>} : memref<1024x128xf32, #tpu.memory_space<vmem>>, vector<1024x128xf32>,
    return
  }
  func.func @transform_0(%arg0: i32) -> (i32, i32) {
    %c0_i32 = arith.constant 0 : i32
    %c0_i32_0 = arith.constant 0 : i32
    return %arg0, %c0_i32 : i32, i32
  }
  func.func @transform_1(%arg0: i32) -> (i32, i32) {
    %c0_i32 = arith.constant 0 : i32
    %c0_i32_0 = arith.constant 0 : i32
    return %arg0, %c0_i32 : i32, i32
  }
  func.func @transform_2(%arg0: i32) -> (i32, i32) {
    %c0_i32 = arith.constant 0 : i32
    %c0_i32_0 = arith.constant 0 : i32
    %c0_i32_1 = arith.constant 0 : i32
    return %c0_i32, %c0_i32_0 : i32, i32
  }
  func.func @transform_3(%arg0: i32) -> (i32, i32) {
    %c0_i32 = arith.constant 0 : i32
    %c0_i32_0 = arith.constant 0 : i32
    %c0_i32_1 = arith.constant 0 : i32
    return %c0_i32, %c0_i32_0 : i32, i32
  }
  func.func @transform_4(%arg0: i32) -> (i32, i32) {
    %c0_i32 = arith.constant 0 : i32
    %c0_i32_0 = arith.constant 0 : i32
    return %arg0, %c0_i32 : i32, i32
  }
}

module attributes {stable_mosaic.version = 14 : i64} {
  func.func @_pool_body(%arg0: i32, %arg1: memref<1024x128xf32, #tpu.memory_space<vmem>>, %arg2: memref<1x1024xi32, #tpu.memory_space<vmem>>, %arg3: memref<200x1xf32, #tpu.memory_space<vmem>>, %arg4: memref<1x128xf32, #tpu.memory_space<vmem>>, %arg5: memref<1x128xf32, #tpu.memory_space<vmem>>, %arg6: memref<128x256xf32, #tpu.memory_space<vmem>>, %arg7: memref<1x256xf32, #tpu.memory_space<vmem>>, %arg8: memref<128x128xf32, #tpu.memory_space<vmem>>, %arg9: memref<1x128xf32, #tpu.memory_space<vmem>>, %arg10: memref<128x1xf32, #tpu.memory_space<vmem>>, %arg11: memref<1x1xf32, #tpu.memory_space<vmem>>, %arg12: memref<200x1xf32, #tpu.memory_space<vmem>>, %arg13: memref<200x128xf32, #tpu.memory_space<vmem>>, %arg14: memref<200x1xf32, #tpu.memory_space<vmem>>) attributes {dimension_semantics = [#tpu.dimension_semantics<arbitrary>], iteration_bounds = array<i64: 10>, scalar_prefetch = 0 : i64, scratch_operands = 2 : i64, tpu.core_type = #tpu.core_type<tc>, window_params = [{transform_indices = @transform_0, window_bounds = array<i64: 1024, 128>}, {transform_indices = @transform_1, window_bounds = array<i64: 1, 1024>}, {pipeline_mode = #tpu.pipeline_mode<synchronous>, transform_indices = @transform_2, window_bounds = array<i64: 200, 1>}, {pipeline_mode = #tpu.pipeline_mode<synchronous>, transform_indices = @transform_3, window_bounds = array<i64: 1, 128>}, {pipeline_mode = #tpu.pipeline_mode<synchronous>, transform_indices = @transform_4, window_bounds = array<i64: 1, 128>}, {pipeline_mode = #tpu.pipeline_mode<synchronous>, transform_indices = @transform_5, window_bounds = array<i64: 128, 256>}, {pipeline_mode = #tpu.pipeline_mode<synchronous>, transform_indices = @transform_6, window_bounds = array<i64: 1, 256>}, {pipeline_mode = #tpu.pipeline_mode<synchronous>, transform_indices = @transform_7, window_bounds = array<i64: 128, 128>}, {pipeline_mode = #tpu.pipeline_mode<synchronous>, transform_indices = @transform_8, window_bounds = array<i64: 1, 128>}, {pipeline_mode = #tpu.pipeline_mode<synchronous>, transform_indices = @transform_9, window_bounds = array<i64: 128, 1>}, {pipeline_mode = #tpu.pipeline_mode<synchronous>, transform_indices = @transform_10, window_bounds = array<i64: 1, 1>}, {pipeline_mode = #tpu.pipeline_mode<synchronous>, transform_indices = @transform_11, window_bounds = array<i64: 200, 1>}]} {
    %eq3A = arith.constant 0 : i32
    %eq3A_0 = arith.cmpi eq, %arg0, %eq3A : i32
    %convert_element_type3A = arith.extui %eq3A_0 : i1 to i32
    %cond3A = arith.constant 0 : i32
    %cond3A_1 = arith.cmpi ne, %convert_element_type3A, %cond3A : i32
    scf.if %cond3A_1 {
      %broadcast_in_dim3A_30 = arith.constant 0.000000e+00 : f32
      %broadcast_in_dim3A_31 = vector.broadcast %broadcast_in_dim3A_30 : f32 to vector<200x128xf32>
      %swap3A_32 = arith.constant 0 : index
      %swap3A_33 = arith.constant 0 : index
      %swap3A_34 = vector.load %arg13[%swap3A_32, %swap3A_33] : memref<200x128xf32, #tpu.memory_space<vmem>>, vector<200x128xf32>
      tpu.vector_store %arg13[%swap3A_32, %swap3A_33], %broadcast_in_dim3A_31 {strides = array<i32>} : memref<200x128xf32, #tpu.memory_space<vmem>>, vector<200x128xf32>,
      %broadcast_in_dim3A_35 = arith.constant 0.000000e+00 : f32
      %broadcast_in_dim3A_36 = vector.broadcast %broadcast_in_dim3A_35 : f32 to vector<200x1xf32>
      %swap3A_37 = arith.constant 0 : index
      %swap3A_38 = arith.constant 0 : index
      %swap3A_39 = vector.load %arg14[%swap3A_37, %swap3A_38] : memref<200x1xf32, #tpu.memory_space<vmem>>, vector<200x1xf32>
      tpu.vector_store %arg14[%swap3A_37, %swap3A_38], %broadcast_in_dim3A_36 {strides = array<i32>} : memref<200x1xf32, #tpu.memory_space<vmem>>, vector<200x1xf32>,
    } else {
    }
    %iota3A = tpu.iota {dimensions = array<i32: 0>} : vector<200x1024xi32>
    %get3A = arith.constant 0 : index
    %get3A_2 = arith.constant 0 : index
    %get3A_3 = vector.load %arg2[%get3A, %get3A_2] : memref<1x1024xi32, #tpu.memory_space<vmem>>, vector<1x1024xi32>
    %eq3A_4 = vector.broadcast %get3A_3 : vector<1x1024xi32> to vector<200x1024xi32>
    %eq3A_5 = arith.cmpi eq, %iota3A, %eq3A_4 : vector<200x1024xi32>
    %convert_element_type3A_6 = arith.extui %eq3A_5 : vector<200x1024xi1> to vector<200x1024xi32>
    %convert_element_type3A_7 = arith.sitofp %convert_element_type3A_6 : vector<200x1024xi32> to vector<200x1024xf32>
    %get3A_8 = arith.constant 0 : index
    %get3A_9 = arith.constant 0 : index
    %get3A_10 = vector.load %arg13[%get3A_8, %get3A_9] : memref<200x128xf32, #tpu.memory_space<vmem>>, vector<200x128xf32>
    %get3A_11 = arith.constant 0 : index
    %get3A_12 = arith.constant 0 : index
    %get3A_13 = vector.load %arg1[%get3A_11, %get3A_12] : memref<1024x128xf32, #tpu.memory_space<vmem>>, vector<1024x128xf32>
    %dot_general3A = arith.constant dense<0.000000e+00> : vector<200x128xf32>
    %dot_general3A_14 = tpu.matmul %convert_element_type3A_7, %get3A_13, %dot_general3A {dimension_numbers = #tpu.dot_dimension_numbers<[1], [0], [0], [1], [0, 0, 1, 1], [], []>, transpose_lhs_hint = false} : vector<200x1024xf32>, vector<1024x128xf32>, vector<200x128xf32> -> vector<200x128xf32>
    %add3A = arith.addf %get3A_10, %dot_general3A_14 : vector<200x128xf32>
    %swap3A = arith.constant 0 : index
    %swap3A_15 = arith.constant 0 : index
    %swap3A_16 = vector.load %arg13[%swap3A, %swap3A_15] : memref<200x128xf32, #tpu.memory_space<vmem>>, vector<200x128xf32>
    tpu.vector_store %arg13[%swap3A, %swap3A_15], %add3A {strides = array<i32>} : memref<200x128xf32, #tpu.memory_space<vmem>>, vector<200x128xf32>,
    %get3A_17 = arith.constant 0 : index
    %get3A_18 = arith.constant 0 : index
    %get3A_19 = vector.load %arg14[%get3A_17, %get3A_18] : memref<200x1xf32, #tpu.memory_space<vmem>>, vector<200x1xf32>
    %reduce_sum3A = arith.constant dense<0.000000e+00> : vector<200xf32>
    %reduce_sum3A_20 = vector.multi_reduction <add>, %convert_element_type3A_7, %reduce_sum3A [1] : vector<200x1024xf32> to vector<200xf32>
    %broadcast_in_dim3A = vector.shape_cast %reduce_sum3A_20 : vector<200xf32> to vector<200x1xf32>
    %add3A_21 = arith.addf %get3A_19, %broadcast_in_dim3A : vector<200x1xf32>
    %swap3A_22 = arith.constant 0 : index
    %swap3A_23 = arith.constant 0 : index
    %swap3A_24 = vector.load %arg14[%swap3A_22, %swap3A_23] : memref<200x1xf32, #tpu.memory_space<vmem>>, vector<200x1xf32>
    tpu.vector_store %arg14[%swap3A_22, %swap3A_23], %add3A_21 {strides = array<i32>} : memref<200x1xf32, #tpu.memory_space<vmem>>, vector<200x1xf32>,
    %eq3A_25 = arith.constant 9 : i32
    %eq3A_26 = arith.cmpi eq, %arg0, %eq3A_25 : i32
    %convert_element_type3A_27 = arith.extui %eq3A_26 : i1 to i32
    %cond3A_28 = arith.constant 0 : i32
    %cond3A_29 = arith.cmpi ne, %convert_element_type3A_27, %cond3A_28 : i32
    scf.if %cond3A_29 {
      %get3A_30 = arith.constant 0 : index
      %get3A_31 = arith.constant 0 : index
      %get3A_32 = vector.load %arg14[%get3A_30, %get3A_31] : memref<200x1xf32, #tpu.memory_space<vmem>>, vector<200x1xf32>
      %max3A = arith.constant 1.000000e+00 : f32
      %max3A_33 = vector.broadcast %max3A : f32 to vector<200x1xf32>
      %max3A_34 = arith.maximumf %get3A_32, %max3A_33 : vector<200x1xf32>
      %get3A_35 = arith.constant 0 : index
      %get3A_36 = arith.constant 0 : index
      %get3A_37 = vector.load %arg13[%get3A_35, %get3A_36] : memref<200x128xf32, #tpu.memory_space<vmem>>, vector<200x128xf32>
      %div3A = vector.broadcast %max3A_34 : vector<200x1xf32> to vector<200x128xf32>
      %div3A_38 = arith.divf %get3A_37, %div3A : vector<200x128xf32>
      %get3A_39 = arith.constant 0 : index
      %get3A_40 = arith.constant 0 : index
      %get3A_41 = vector.load %arg3[%get3A_39, %get3A_40] : memref<200x1xf32, #tpu.memory_space<vmem>>, vector<200x1xf32>
      %get3A_42 = arith.constant 0 : index
      %get3A_43 = arith.constant 0 : index
      %get3A_44 = vector.load %arg4[%get3A_42, %get3A_43] : memref<1x128xf32, #tpu.memory_space<vmem>>, vector<1x128xf32>
      %dot_general3A_45 = arith.constant dense<0.000000e+00> : vector<200x128xf32>
      %dot_general3A_46 = tpu.matmul %get3A_41, %get3A_44, %dot_general3A_45 {dimension_numbers = #tpu.dot_dimension_numbers<[1], [0], [0], [1], [0, 0, 1, 1], [], []>, transpose_lhs_hint = false} : vector<200x1xf32>, vector<1x128xf32>, vector<200x128xf32> -> vector<200x128xf32>
      %get3A_47 = arith.constant 0 : index
      %get3A_48 = arith.constant 0 : index
      %get3A_49 = vector.load %arg5[%get3A_47, %get3A_48] : memref<1x128xf32, #tpu.memory_space<vmem>>, vector<1x128xf32>
      %add3A_50 = vector.broadcast %get3A_49 : vector<1x128xf32> to vector<200x128xf32>
      %add3A_51 = arith.addf %dot_general3A_46, %add3A_50 : vector<200x128xf32>
      %logistic3A = arith.negf %add3A_51 : vector<200x128xf32>
      %logistic3A_52 = math.exp %logistic3A : vector<200x128xf32>
      %logistic3A_53 = arith.constant 1.000000e+00 : f32
      %logistic3A_54 = vector.broadcast %logistic3A_53 : f32 to vector<200x128xf32>
      %logistic3A_55 = arith.addf %logistic3A_54, %logistic3A_52 : vector<200x128xf32>
      %logistic3A_56 = arith.divf %logistic3A_54, %logistic3A_55 : vector<200x128xf32>
      %mul3A = arith.mulf %add3A_51, %logistic3A_56 : vector<200x128xf32>
      %get3A_57 = arith.constant 0 : index
      %get3A_58 = arith.constant 0 : index
      %get3A_59 = vector.load %arg6[%get3A_57, %get3A_58] : memref<128x256xf32, #tpu.memory_space<vmem>>, vector<128x256xf32>
      %dot_general3A_60 = arith.constant dense<0.000000e+00> : vector<200x256xf32>
      %dot_general3A_61 = tpu.matmul %mul3A, %get3A_59, %dot_general3A_60 {dimension_numbers = #tpu.dot_dimension_numbers<[1], [0], [0], [1], [0, 0, 1, 1], [], []>, transpose_lhs_hint = false} : vector<200x128xf32>, vector<128x256xf32>, vector<200x256xf32> -> vector<200x256xf32>
      %get3A_62 = arith.constant 0 : index
      %get3A_63 = arith.constant 0 : index
      %get3A_64 = vector.load %arg7[%get3A_62, %get3A_63] : memref<1x256xf32, #tpu.memory_space<vmem>>, vector<1x256xf32>
      %add3A_65 = vector.broadcast %get3A_64 : vector<1x256xf32> to vector<200x256xf32>
      %add3A_66 = arith.addf %dot_general3A_61, %add3A_65 : vector<200x256xf32>
      %slice3A = vector.extract_strided_slice %add3A_66 {offsets = [0, 0], sizes = [200, 128], strides = [1, 1]} : vector<200x256xf32> to vector<200x128xf32>
      %slice3A_67 = vector.extract_strided_slice %add3A_66 {offsets = [0, 128], sizes = [200, 128], strides = [1, 1]} : vector<200x256xf32> to vector<200x128xf32>
      %mul3A_68 = arith.mulf %slice3A, %div3A_38 : vector<200x128xf32>
      %add3A_69 = arith.addf %mul3A_68, %slice3A_67 : vector<200x128xf32>
      %get3A_70 = arith.constant 0 : index
      %get3A_71 = arith.constant 0 : index
      %get3A_72 = vector.load %arg8[%get3A_70, %get3A_71] : memref<128x128xf32, #tpu.memory_space<vmem>>, vector<128x128xf32>
      %dot_general3A_73 = arith.constant dense<0.000000e+00> : vector<200x128xf32>
      %dot_general3A_74 = tpu.matmul %add3A_69, %get3A_72, %dot_general3A_73 {dimension_numbers = #tpu.dot_dimension_numbers<[1], [0], [0], [1], [0, 0, 1, 1], [], []>, transpose_lhs_hint = false} : vector<200x128xf32>, vector<128x128xf32>, vector<200x128xf32> -> vector<200x128xf32>
      %get3A_75 = arith.constant 0 : index
      %get3A_76 = arith.constant 0 : index
      %get3A_77 = vector.load %arg9[%get3A_75, %get3A_76] : memref<1x128xf32, #tpu.memory_space<vmem>>, vector<1x128xf32>
      %add3A_78 = vector.broadcast %get3A_77 : vector<1x128xf32> to vector<200x128xf32>
      %add3A_79 = arith.addf %dot_general3A_74, %add3A_78 : vector<200x128xf32>
      %logistic3A_80 = arith.negf %add3A_79 : vector<200x128xf32>
      %logistic3A_81 = math.exp %logistic3A_80 : vector<200x128xf32>
      %logistic3A_82 = arith.constant 1.000000e+00 : f32
      %logistic3A_83 = vector.broadcast %logistic3A_82 : f32 to vector<200x128xf32>
      %logistic3A_84 = arith.addf %logistic3A_83, %logistic3A_81 : vector<200x128xf32>
      %logistic3A_85 = arith.divf %logistic3A_83, %logistic3A_84 : vector<200x128xf32>
      %mul3A_86 = arith.mulf %add3A_79, %logistic3A_85 : vector<200x128xf32>
      %get3A_87 = arith.constant 0 : index
      %get3A_88 = arith.constant 0 : index
      %get3A_89 = vector.load %arg10[%get3A_87, %get3A_88] : memref<128x1xf32, #tpu.memory_space<vmem>>, vector<128x1xf32>
      %dot_general3A_90 = arith.constant dense<0.000000e+00> : vector<200x1xf32>
      %dot_general3A_91 = tpu.matmul %mul3A_86, %get3A_89, %dot_general3A_90 {dimension_numbers = #tpu.dot_dimension_numbers<[1], [0], [0], [1], [0, 0, 1, 1], [], []>, transpose_lhs_hint = false} : vector<200x128xf32>, vector<128x1xf32>, vector<200x1xf32> -> vector<200x1xf32>
      %get3A_92 = arith.constant 0 : index
      %get3A_93 = arith.constant 0 : index
      %get3A_94 = vector.load %arg11[%get3A_92, %get3A_93] : memref<1x1xf32, #tpu.memory_space<vmem>>, vector<1x1xf32>
      %add3A_95 = vector.broadcast %get3A_94 : vector<1x1xf32> to vector<200x1xf32>
      %add3A_96 = arith.addf %dot_general3A_91, %add3A_95 : vector<200x1xf32>
      %swap3A_97 = arith.constant 0 : index
      %swap3A_98 = arith.constant 0 : index
      %swap3A_99 = vector.load %arg12[%swap3A_97, %swap3A_98] : memref<200x1xf32, #tpu.memory_space<vmem>>, vector<200x1xf32>
      tpu.vector_store %arg12[%swap3A_97, %swap3A_98], %add3A_96 {strides = array<i32>} : memref<200x1xf32, #tpu.memory_space<vmem>>, vector<200x1xf32>,
    } else {
    }
    return
  }
  func.func @transform_0(%arg0: i32) -> (i32, i32) {
    %c0_i32 = arith.constant 0 : i32
    %c0_i32_0 = arith.constant 0 : i32
    return %arg0, %c0_i32 : i32, i32
  }
  func.func @transform_1(%arg0: i32) -> (i32, i32) {
    %c0_i32 = arith.constant 0 : i32
    %c0_i32_0 = arith.constant 0 : i32
    return %c0_i32, %arg0 : i32, i32
  }
  func.func @transform_2(%arg0: i32) -> (i32, i32) {
    %c0_i32 = arith.constant 0 : i32
    %c0_i32_0 = arith.constant 0 : i32
    %c0_i32_1 = arith.constant 0 : i32
    return %c0_i32, %c0_i32_0 : i32, i32
  }
  func.func @transform_3(%arg0: i32) -> (i32, i32) {
    %c0_i32 = arith.constant 0 : i32
    %c0_i32_0 = arith.constant 0 : i32
    %c0_i32_1 = arith.constant 0 : i32
    return %c0_i32, %c0_i32_0 : i32, i32
  }
  func.func @transform_4(%arg0: i32) -> (i32, i32) {
    %c0_i32 = arith.constant 0 : i32
    %c0_i32_0 = arith.constant 0 : i32
    %c0_i32_1 = arith.constant 0 : i32
    return %c0_i32, %c0_i32_0 : i32, i32
  }
  func.func @transform_5(%arg0: i32) -> (i32, i32) {
    %c0_i32 = arith.constant 0 : i32
    %c0_i32_0 = arith.constant 0 : i32
    %c0_i32_1 = arith.constant 0 : i32
    return %c0_i32, %c0_i32_0 : i32, i32
  }
  func.func @transform_6(%arg0: i32) -> (i32, i32) {
    %c0_i32 = arith.constant 0 : i32
    %c0_i32_0 = arith.constant 0 : i32
    %c0_i32_1 = arith.constant 0 : i32
    return %c0_i32, %c0_i32_0 : i32, i32
  }
  func.func @transform_7(%arg0: i32) -> (i32, i32) {
    %c0_i32 = arith.constant 0 : i32
    %c0_i32_0 = arith.constant 0 : i32
    %c0_i32_1 = arith.constant 0 : i32
    return %c0_i32, %c0_i32_0 : i32, i32
  }
  func.func @transform_8(%arg0: i32) -> (i32, i32) {
    %c0_i32 = arith.constant 0 : i32
    %c0_i32_0 = arith.constant 0 : i32
    %c0_i32_1 = arith.constant 0 : i32
    return %c0_i32, %c0_i32_0 : i32, i32
  }
  func.func @transform_9(%arg0: i32) -> (i32, i32) {
    %c0_i32 = arith.constant 0 : i32
    %c0_i32_0 = arith.constant 0 : i32
    %c0_i32_1 = arith.constant 0 : i32
    return %c0_i32, %c0_i32_0 : i32, i32
  }
  func.func @transform_10(%arg0: i32) -> (i32, i32) {
    %c0_i32 = arith.constant 0 : i32
    %c0_i32_0 = arith.constant 0 : i32
    %c0_i32_1 = arith.constant 0 : i32
    return %c0_i32, %c0_i32_0 : i32, i32
  }
  func.func @transform_11(%arg0: i32) -> (i32, i32) {
    %c0_i32 = arith.constant 0 : i32
    %c0_i32_0 = arith.constant 0 : i32
    %c0_i32_1 = arith.constant 0 : i32
    return %c0_i32, %c0_i32_0 : i32, i32
  }
}

</mosaic_0001>

<sc_bundles>
// kernel: gather_offload_async_start.1
scs
__scs_entry_jumppad:
0x0: {  	(pc) =	sbr.rel $0x88, $3  }
0x1: {  	(tag) =	ssettag $0x0;
	lr =	simm.s32 $0x1  }
0x2: {  	[smem:$0x3F8C] =	sst lr;
	_ =	strace $0xD0000000  }
0x3: {  	_ = 	snop  }
0x4: {  	_ = 	snop  }
0x5: {  	_ = 	snop  }
0x6: {  	_ = 	snop  }
0x7: {  	_ = 	snop  }
__scs_overlays_trampoline_lowered:
0x8: {  	[smem:$0x3F9B] =	sst s0  }
0x9: {  	[smem:$0x3F9C] =	sst s1  }
0xa: {  	[smem:$0x3F9D] =	sst s2  }
0xb: {  	[smem:$0x3F9E] =	sst s3  }
0xc: {  	[smem:$0x3F9F] =	sst s4  }
0xd: {  	[smem:$0x3FA0] =	sst s5  }
0xe: {  	[smem:$0x3FA1] =	sst s6  }
0xf: {  	[smem:$0x3FA2] =	sst s7  }
0x10: {  	[smem:$0x3FA3] =	sst s8  }
0x11: {  	[smem:$0x3FA4] =	sst s9;
	s0 =	simm.s32 @!p0 $0x0  }
0x12: {  	s1 =	sld [smem:$0x3F8A];
	s0 =	simm.s32 @p0 $0x1  }
0x13: {  	[smem:$0x3FA5] =	sst s0;
	s0 =	simm.s32 @!p1 $0x0  }
0x14: {  	s2 =	sld [smem:$0x3F89];
	s0 =	simm.s32 @p1 $0x1  }
0x15: {  	[smem:$0x3FA6] =	sst s0;
	s0 =	simm.s32 @!p2 $0x0  }
0x16: {  	s3 =	sld [smem:$0x3FDB];
	s0 =	simm.s32 @p2 $0x1  }
0x17: {  	s4 =	simm.s32 $0x1BF5;
	[smem:$0x3FA8] =	sst s0  }
0x18: {  	s0 =	sld [smem:$0x3F8B];
	_ =	swait.ge [sflag:s4], $0x0  }
0x19: {  	s7 =	sld [smem:$0x3F8C]  }
0x1a: {  	s8 =	sadd.s32 $0xFFFFE003, lr  }
0x1b: {  	s9 =	sadd.s32 $0xFFFFFEF7, lr;
	s5 =	simm.s32 $0xFFFFFFFF;
	p2 =	slt.u32 s8, $0xFFFFF086  }
0x1c: {  	p1 =	slt.u32 s9, $0xF7A;
	s5 =	simm.s32 @!p2 $0x0  }
0x1d: {  	s5 =	simm.s32 @p1 $0x1;
	p0 =	seq.s32 s7, s2  }
0x1e: {  	s7 =	smul.u32 @!p0 $0xF7A, s2;
	p2 =	seq.s32 @!p0 s5, $0x0  }
0x1f: {  	s9 =	smul.u32 $0xF7A, s1;
	s8 =	simm.s32 @!p0 $0x1BF5;
	p2 =	por !p2, p0  }
0x20: {  	[sflag:s8] =	ssyncset.s32 @!p0 $0xFFFFF086;
	s6 =	sadd.s32 @!p0 s3, s7;
	s7 =	simm.s32 @!p0 $0x108  }
0x21: {  	s3 =	sadd.s32 s3, s9;
	s6 =	sadd.s32 @!p0 $0x88, s6;
	s7 =	simm.s32 @p2 $0x1082  }
0x22: {  	[simem:s7], [sflag:s8] =	dma.local @!p0 [hbm:s6], $0xF7A  }
0x23: {  	s9 =	sor.u32 $0xD0000000, s2;
	s6 =	simm.s32 $0x108;
	_ =	swait.ge @!p0 [sflag:s8], $0x0  }
0x24: {  	s3 =	sadd.s32 $0x88, s3;
	s6 =	simm.s32 @!p1 $0x1082;
	[sflag:s4] =	ssyncset.s32 $0xFFFFF086  }
0x25: {  	[simem:s6], [sflag:s4] =	dma.local [hbm:s3], $0xF7A  }
0x26: {  	[smem:$0x3F8C] =	sst s1;
	(tag) =	ssettag s2;
	_ =	strace s9  }
0x27: {  	s1 =	sld [smem:$0x3F9C]  }
0x28: {  	s2 =	sld [smem:$0x3F9D]  }
0x29: {  	s4 =	sld [smem:$0x3F9F]  }
0x2a: {  	p0 =	seq.s32 s5, $0x0;
	s5 =	sld [smem:$0x3FA0]  }
0x2b: {  	s6 =	sld [smem:$0x3FA1]  }
0x2c: {  	s7 =	sld [smem:$0x3FA2]  }
0x2d: {  	s3 =	simm.s32 $0x108;
	s8 =	sld [smem:$0x3FA3]  }
0x2e: {  	s3 =	simm.s32 @!p0 $0x1082;
	s9 =	sld [smem:$0x3FA4]  }
0x2f: {  	lr =	sadd.s32 s0, s3;
	s0 =	sld [smem:$0x3F9B]  }
0x30: {  	s3 =	sld [smem:$0x3F9E]  }
0x31: {  	[smem:$0x3FA7] =	sst s10  }
0x32: {  	s10 =	sld [smem:$0x3FA5];
	_ =	sdelay $0x3  }
0x33: {  	p0 =	seq.s32 s10, $0x1;
	s10 =	sld [smem:$0x3FA7];
	_ =	sdelay $0x3  }
0x34: {  	[smem:$0x3FA7] =	sst s10  }
0x35: {  	s10 =	sld [smem:$0x3FA6];
	_ =	sdelay $0x3  }
0x36: {  	p1 =	seq.s32 s10, $0x1;
	s10 =	sld [smem:$0x3FA7];
	_ =	sdelay $0x3  }
0x37: {  	[smem:$0x3FA7] =	sst s10  }
0x38: {  	s10 =	sld [smem:$0x3FA8]  }
0x39: {  	_ = 	snop;
	(pc) =	sbr.ind lr, $3  }
0x3a: {  	_ = 	snop  }
0x3b: {  	_ = 	snop  }
0x3c: {  	p2 =	seq.s32 s10, $0x1;
	s10 =	sld [smem:$0x3FA7]  }
0x3d: {  	_ =	shalt  }
0x3e: {  	_ =	shalt  }
0x3f: {  	_ =	shalt  }
0x40: {  	_ =	shalt  }
0x41: {  	_ =	shalt  }
0x42: {  	_ =	shalt  }
0x43: {  	_ =	shalt  }
0x44: {  	_ =	shalt  }
0x45: {  	_ =	shalt  }
0x46: {  	_ =	shalt  }
0x47: {  	_ =	shalt  }
0x48: {  	_ =	shalt  }
0x49: {  	_ =	shalt  }
0x4a: {  	_ =	shalt  }
0x4b: {  	_ =	shalt  }
0x4c: {  	_ =	shalt  }
0x4d: {  	_ =	shalt  }
0x4e: {  	_ =	shalt  }
0x4f: {  	_ =	shalt  }
0x50: {  	_ =	shalt  }
0x51: {  	_ =	shalt  }
0x52: {  	_ =	shalt  }
0x53: {  	_ =	shalt  }
0x54: {  	_ =	shalt  }
0x55: {  	_ =	shalt  }
0x56: {  	_ =	shalt  }
0x57: {  	_ =	shalt  }
0x58: {  	_ =	shalt  }
0x59: {  	_ =	shalt  }
0x5a: {  	_ =	shalt  }
0x5b: {  	_ =	shalt  }
0x5c: {  	_ =	shalt  }
0x5d: {  	_ =	shalt  }
0x5e: {  	_ =	shalt  }
0x5f: {  	_ =	shalt  }
0x60: {  	_ =	shalt  }
0x61: {  	_ =	shalt  }
0x62: {  	_ =	shalt  }
0x63: {  	_ =	shalt  }
0x64: {  	_ =	shalt  }
0x65: {  	_ =	shalt  }
0x66: {  	_ =	shalt  }
0x67: {  	_ =	shalt  }
0x68: {  	_ =	shalt  }
0x69: {  	_ =	shalt  }
0x6a: {  	_ =	shalt  }
0x6b: {  	_ =	shalt  }
0x6c: {  	_ =	shalt  }
0x6d: {  	_ =	shalt  }
0x6e: {  	_ =	shalt  }
0x6f: {  	_ =	shalt  }
0x70: {  	_ =	shalt  }
0x71: {  	_ =	shalt  }
0x72: {  	_ =	shalt  }
0x73: {  	_ =	shalt  }
0x74: {  	_ =	shalt  }
0x75: {  	_ =	shalt  }
0x76: {  	_ =	shalt  }
0x77: {  	_ =	shalt  }
0x78: {  	_ =	shalt  }
0x79: {  	_ =	shalt  }
0x7a: {  	_ =	shalt  }
0x7b: {  	_ =	shalt  }
0x7c: {  	_ =	shalt  }
0x7d: {  	_ =	shalt  }
0x7e: {  	_ =	shalt  }
0x7f: {  	_ =	shalt  }
0x80: {  	_ =	shalt  }
0x81: {  	_ =	shalt  }
0x82: {  	_ =	shalt  }
0x83: {  	_ =	shalt  }
0x84: {  	_ =	shalt  }
0x85: {  	_ =	shalt  }
0x86: {  	_ =	shalt  }
0x87: {  	_ =	shalt  }
.Lfunc_end0:
.L_simem_size_0:
called_computation.1_lowered:
.L_overlay_start_0:
0x88: {  	s2 =	sld [smem:$0x3FD9]  }
0x89: {  	s3 =	sld [smem:$0x3FFE];
	_ =	sdelay $0x1  }
0x8a: {  	s1 =	srdreg.scid  }
0x8b: {  	s0 =	sand.u32 $0x1, s1  }
0x8c: {  	s16 =	sshll.u32 s0, $0xA;
	s2 =	sadd.s32 s3, s2  }
0x8d: {  	s2 =	sadd.s32 s2, s16  }
0x8e: {  	[smem:$0x3FB3] =	sst s2  }
0x8f: {  	_ = 	snop  }
0x90: {  	(tm) =	ssettm $0x1  }
0x91: {  	s17 =	sld [smem:$0x3FFB];
	_ =	sdelay $0x3  }
0x92: {  	_ =	strace s17  }
0x93: {  	s2 =	sld [smem:$0x3FFC];
	_ =	sdelay $0x3  }
0x94: {  	_ =	strace s2  }
0x95: {  	s2 =	sld [smem:$0x3FFD];
	_ =	sdelay $0x3  }
0x96: {  	_ =	strace s2  }
0x97: {  	_ =	strace $0x8FFFFFFF  }
0x98: {  	s18 =	sld [smem:$0x3FDB];
	_ =	sdelay $0x1  }
0x99: {  	s19 =	simm.s32 $_scs_section_size  }
0x9a: {  	s4 =	simm.s32 $_size__tile_overlayer_lowered;
	s5 =	simm.s32 $_tile_overlayer_lowered  }
0x9b: {  	s22 =	simm.s32 $0x1BFF;
	s21 =	sshll.u32 s5, $0x1;
	s2 =	sadd.s32 s19, s18  }
0x9c: {  	s6 =	simm.s32 $0x0;
	s20 =	sshll.u32 s4, $0x1;
	s4 =	sadd.s32 s21, s2  }
0x9d: {  	[timem:s6], [sflag:s22] =	dma.local [hbm:s4], s20  }
0x9e: {  	_ =	swait.ge [sflag:s22], s20  }
0x9f: {  	s3 =	ssub.s32 $0x0, s20;
	[sflag:s22] =	ssyncset.done $0x0  }
0xa0: {  	[sflag:s22] =	ssyncadd.s32 s3;
	_ =	sdelay $0x1  }
0xa1: {  	s23 =	simm.s32 $0x1B8B  }
0xa2: {  	_ =	swait.ge [sflag:s23], $0x1  }
0xa3: {  	[sflag:s23] =	ssyncset.done $0x0  }
0xa4: {  	s25 =	simm.s32 $0x1B8E;
	s24 =	sld [smem:$0x3FFE];
	[sflag:s23] =	ssyncadd.s32 $0xFFFFFFFF  }
0xa5: {  	s26 =	simm.s32 $execute0_lowered;
	[smem:$0x3FD2] =	sst s25  }
0xa6: {  	s4 =	sshll.u32 s26, $0x1;
	_ =	strace $0x80000049;
	[dreg:$0x1] =	wrdreg $0xFFFFFFFF  }
0xa7: {  	s28 =	simm.s32 $_size_execute0_lowered;
	s2 =	sadd.s32 s2, s4;
	[dreg:$0x0] =	wrdreg $0x0  }
0xa8: {  	s4 =	sshll.u32 s28, $0x1;
	[dreg:$0x2] =	wrdreg s2  }
0xa9: {  	[dreg:$0x3] =	wrdreg s4  }
0xaa: {  	[dreg:$0x4] =	wrdreg $0xC0  }
0xab: {  	_ =	task [dreg:s6], $0x5FFFF  }
0xac: {  	[dreg:$0x1] =	wrdreg $0xFFFFFFFF  }
0xad: {  	[dreg:$0x0] =	wrdreg $0x60  }
0xae: {  	[dreg:$0x2] =	wrdreg s24  }
0xaf: {  	[dreg:$0x3] =	wrdreg $0x9  }
0xb0: {  	_ =	task.clear_ibuf [dreg:s6], $0x4FFFF;
	_ =	strace $0x90000049  }
0xb1: {  	s29 =	simm.s32 $0x9;
	_ =	strace $0x8000004B  }
0xb2: {  	_ =	swait.ge [sflag:s29], $0x1  }
0xb3: {  	[sflag:s29] =	ssyncadd.s32 $0xFFFFFFFF  }
0xb4: {  	_ =	strace $0x9000004B  }
0xb5: {  	_ =	sfence  }
0xb6: {  	s30 =	sld [smem:$0x0];
	_ =	sdelay $0x2  }
0xb7: {  	s31 =	sshll.u32 s1, $0xD;
	s1 =	sshrl.u32 s1, $0x2  }
0xb8: {  	s3 =	sand.u32 $0x4000, s31;
	s1 =	sadd.s32 s1, s30  }
0xb9: {  	s0 =	sor.u32 s3, s0;
	s1 =	sshll.u32 s1, $0x11  }
0xba: {  	s0 =	sor.u32 s1, s0  }
0xbb: {  	s0 =	sadd.s32 $0x8F2B, s0  }
0xbc: {  	[sflag:s0] =	ssyncadd.remote.s32 $0x1  }
0xbd: {  	_ =	sfence.sel $0xFFFF  }
0xbe: {  	[dreg:$0x0] =	wrdreg $0xFFFFFFFF;
	(pc) =	sbr.abs _section_cstart, $3  }
0xbf: {  	[dreg:$0x1] =	wrdreg $0xFFFFFFFF  }
0xc0: {  	_ =	task.clear_ibuf [dreg:s6], $0x2FFFF;
	_ =	strace $0x9FFFFFFF  }
0xc1: {  	(tm) =	ssettm $0x7FFFFFFF  }
tec
execute0_lowered:
.L_overlay_start_1:
0x0: {  	(tag) =	ssettag $0x1  }
0x1: {  	s1 =	srdreg.scid;
	s0 =	stileid.u32  }
0x2: {  	s6 =	rddreg [dreg:$0x0];
	s7 =	simm.s32 $0x1;
	s1 =	sshll.u32 s1, $0x5  }
0x3: {  	s30 =	simm.s32 $0x2;
	s2 =	sshll.u32 s0, $0x6;
	s3 =	sand.u32 $0x20, s1  }
0x4: {  	s31 =	simm.s32 $0x3;
	s11 =	simm.s32 $0x0;
	s2 =	sor.u32 s2, s3  }
0x5: {  	s9 =	simm.s32 $0x0;
	s4 =	sadd.s32 $0x5C00, s6;
	s5 =	ssub.s32 $0x500, s2  }
0x6: {  	s1 =	rddreg [dreg:$0x1];
	_ =	strace $0x8000004A;
	s8 =	sand.u32 $0x3E0, s5  }
0x7: {  	s3 =	sadd.s32 $0x5600, s6;
	[sflag:s7] =	ssyncpa.u1 $0x0;
	p0 =	sne.s32 s8, $0x0  }
0x8: {  	s6 =	sadd.s32 $0x5E00, s6;
	s5 =	sshrl.u32 s5, $0xA;
	s7 =	simm.s32 @!p0 $0x0  }
0x9: {  	[sflag:s30] =	ssyncpa.u1 $0x0;
	s10 =	smov.u32 s2;
	s5 =	sadd.s32 s7, s5  }
0xa: {  	[sflag:s31] =	ssyncpa.u1 $0x0;
	s8 =	simm.s32 $0x0;
	s7 =	sadd.s32 $0x1, s5  }
.LBB2_1:
0xb: {  	p0 =	sge.u32 s9, s5  }
0xc: {  	s31 =	sadd.s32 $0xFFFFFFFF, s9;
	s12 =	sxor.u32 @!p0 $0xFFFFFFFF, s8;
	s13 =	sshrl.u32 @!p0 s10, $0x3  }
0xd: {  	s14 =	sand.u32 @!p0 $0x7, s10;
	s12 =	sand.u32 @!p0 $0x20, s12;
	s13 =	sadd.s32 @!p0 s4, s13  }
0xe: {  	[tilespmem:s12], [sflag:$0x2] =	stream.linear.gather @!p0 [hbm4b:s13+s14], $0x20, $0x38;
	[tilespmem:$0x80] =	vst v63  }
0xf: {  	p0 =	sge.u32 s31, s5  }
0x10: {  	s12 =	simm.s32 @!p0 $0x2  }
0x11: {  	_ =	swait.ge @!p0 [sflag:s12], $0x20  }
0x12: {  	[sflag:s12] =	ssyncset.done @!p0 $0x0  }
0x13: {  	[sflag:s12] =	ssyncadd.s32 @!p0 $0xFFFFFFE0;
	s12 =	sand.u32 @!p0 $0x20, s8  }
0x14: {  	(ifvalue) =	ssetifvalue @!p0 $0x7FFFFFFF;
	v0 =	vld.msk @!p0 [tilespmem:s12+$0x0 ss:$0x1], $0xffff;
	_ =	sdelay $0x4  }
0x15: {  	vm0 =	vgt.s32 @!p0 v0, $0x0  }
0x16: {  	v0 =	vnsel @!p0 vm0, $0x0, v0  }
0x17: {  	v0 =	vmin.u32 @!p0 v0, $0x27FF;
	_ =	sdelay $0x2  }
0x18: {  	s14 =	simm.s32 @!p0 $0x0  }
0x19: {  	s13 =	sor.u32 @!p0 $0x40, s12;
	(ifvalue) =	ssetifvalue @!p0 $0x7FFFFFFF;
	s15 =	sor.u32 @!p0 $0x10, s12;
	vm0 =	vmmov @!p0 $0xffff  }
0x1a: {  	[tilespmem:s13], [sflag:$0x1] =	stream.indirect_vreg.gather @!p0 [hbm4b:s3+s14], $0x1, v0, vm0, $0x4038;
	[tilespmem:$0x80] =	vst v63  }
0x1b: {  	v0 =	vld.msk @!p0 [tilespmem:s15+$0x0 ss:$0x1], $0xffff;
	_ =	sdelay $0x4  }
0x1c: {  	vm1 =	vgt.s32 @!p0 v0, $0x0  }
0x1d: {  	v0 =	vnsel @!p0 vm1, $0x0, v0  }
0x1e: {  	v0 =	vmin.u32 @!p0 v0, $0x27FF;
	_ =	sdelay $0x3  }
0x1f: {  	s12 =	sor.u32 @!p0 $0x50, s12;
	(ifvalue) =	ssetifvalue @!p0 $0x7FFFFFFF  }
0x20: {  	[tilespmem:s12], [sflag:$0x1] =	stream.indirect_vreg.gather @!p0 [hbm4b:s3+s14], $0x1, v0, vm0, $0x4038;
	[tilespmem:$0x80] =	vst v63  }
0x21: {  	s12 =	simm.s32 @!p0 $0x1  }
0x22: {  	_ =	swait.ge @!p0 [sflag:s12], $0x20  }
0x23: {  	s14 =	sshrl.u32 @!p0 s11, $0x3;
	[sflag:s12] =	ssyncset.done @!p0 $0x0  }
0x24: {  	s11 =	sand.u32 @!p0 $0x7, s11;
	[sflag:s12] =	ssyncadd.s32 @!p0 $0xFFFFFFE0;
	s12 =	sadd.s32 @!p0 s6, s14  }
0x25: {  	[hbm4b:s12+s11] =	stream.linear.scatter @!p0 [tilespmem:s13], [sflag:$0x3], $0x20, $0x38;
	[tilespmem:$0x80] =	vst v63  }
0x26: {  	s13 =	sadd.s32 $0x400, s10  }
0x27: {  	p1 =	sgt.s32 s13, $0x4FF  }
0x28: {  	s13 =	smov.u32 @p1 s2;
	p1 =	sne.s32 s9, s7  }
.Ltmp0:
0x29: {  	p0 =	slt.u32 s9, $0x2;
	(pc) =	sbr.rel @p1 .LBB2_1-.Ltmp0, $4  }
0x2a: {  	s12 =	simm.s32 @!p0 $0x3  }
0x2b: {  	_ =	swait.ge @!p0 [sflag:s12], $0x20  }
0x2c: {  	s8 =	sadd.s32 $0x20, s8;
	s11 =	smov.u32 s10;
	[sflag:s12] =	ssyncset.done @!p0 $0x0  }
0x2d: {  	s9 =	sadd.s32 $0x1, s9;
	s10 =	smov.u32 s13;
	[sflag:s12] =	ssyncadd.s32 @!p0 $0xFFFFFFE0  }
0x2e: {  	_ =	sfence.sel $0x180000  }
0x2f: {  	s2 =	simm.s32 $0x2;
	[bflag:$0x0] =	sbarrier.arrive $0xFFFF  }
0x30: {  	s30 =	simm.s32 $0x3;
	[sflag:s2] =	ssyncpa.u1 $0x1  }
0x31: {  	s31 =	simm.s32 $0x1;
	[sflag:s30] =	ssyncpa.u1 $0x1  }
0x32: {  	[sflag:s31] =	ssyncpa.u1 $0x1  }
0x33: {  	p0 =	sne.s32 s0, $0x0;
	_ =	strace $0x9000004A  }
0x34: {  	s0 =	sadd.s32 @!p0 $0x100000, s1;
	[bflag:$0x2] =	sbarrier.arrive $0xFFFF  }
0x35: {  	[sflag:s0] =	ssyncadd.tile.s32 @!p0 $0x1;
	_ =	shalt  }
.Lfunc_end2:
_tile_overlayer_lowered:
.L_overlay_start_2:
0x36: {  	(tag) =	ssettag $0x2  }
0x37: {  	s0 =	rddreg [dreg:$0x0];
	s2 =	stileid.u32  }
0x38: {  	s1 =	rddreg [dreg:$0x1];
	p0 =	sne.s32 s2, $0x0  }
0x39: {  	s3 =	rddreg [dreg:$0x2];
	[bflag:$0x3] =	sbarrier.arrive $0xFFFF;
	s2 =	simm.s32 @!p0 $0x1C01  }
0x3a: {  	[timem:s3], [sflag:s2] =	dma.local @!p0 [hbm:s0], s1  }
0x3b: {  	s0 =	simm.s32 @!p0 $0x1  }
0x3c: {  	_ =	swait.ge @!p0 [sflag:s0], s1  }
0x3d: {  	s1 =	ssub.s32 @!p0 $0x0, s1;
	[sflag:s0] =	ssyncset.done @!p0 $0x0  }
0x3e: {  	[sflag:s0] =	ssyncadd.s32 @!p0 s1  }
0x3f: {  	[bflag:$0x3] =	sbarrier.arrive $0xFFFF  }
0x40: {  	_ =	shalt  }

// kernel: gather_offload_async_start
scs
__scs_entry_jumppad:
0x0: {  	(pc) =	sbr.rel $0x88, $3  }
0x1: {  	(tag) =	ssettag $0x0;
	lr =	simm.s32 $0x1  }
0x2: {  	[smem:$0x3F8C] =	sst lr;
	_ =	strace $0xD0000000  }
0x3: {  	_ = 	snop  }
0x4: {  	_ = 	snop  }
0x5: {  	_ = 	snop  }
0x6: {  	_ = 	snop  }
0x7: {  	_ = 	snop  }
__scs_overlays_trampoline_lowered:
0x8: {  	[smem:$0x3F9B] =	sst s0  }
0x9: {  	[smem:$0x3F9C] =	sst s1  }
0xa: {  	[smem:$0x3F9D] =	sst s2  }
0xb: {  	[smem:$0x3F9E] =	sst s3  }
0xc: {  	[smem:$0x3F9F] =	sst s4  }
0xd: {  	[smem:$0x3FA0] =	sst s5  }
0xe: {  	[smem:$0x3FA1] =	sst s6  }
0xf: {  	[smem:$0x3FA2] =	sst s7  }
0x10: {  	[smem:$0x3FA3] =	sst s8  }
0x11: {  	[smem:$0x3FA4] =	sst s9;
	s0 =	simm.s32 @!p0 $0x0  }
0x12: {  	s1 =	sld [smem:$0x3F8A];
	s0 =	simm.s32 @p0 $0x1  }
0x13: {  	[smem:$0x3FA5] =	sst s0;
	s0 =	simm.s32 @!p1 $0x0  }
0x14: {  	s2 =	sld [smem:$0x3F89];
	s0 =	simm.s32 @p1 $0x1  }
0x15: {  	[smem:$0x3FA6] =	sst s0;
	s0 =	simm.s32 @!p2 $0x0  }
0x16: {  	s3 =	sld [smem:$0x3FDB];
	s0 =	simm.s32 @p2 $0x1  }
0x17: {  	s4 =	simm.s32 $0x1BF5;
	[smem:$0x3FA8] =	sst s0  }
0x18: {  	s0 =	sld [smem:$0x3F8B];
	_ =	swait.ge [sflag:s4], $0x0  }
0x19: {  	s7 =	sld [smem:$0x3F8C]  }
0x1a: {  	s8 =	sadd.s32 $0xFFFFE003, lr  }
0x1b: {  	s9 =	sadd.s32 $0xFFFFFEF7, lr;
	s5 =	simm.s32 $0xFFFFFFFF;
	p2 =	slt.u32 s8, $0xFFFFF086  }
0x1c: {  	p1 =	slt.u32 s9, $0xF7A;
	s5 =	simm.s32 @!p2 $0x0  }
0x1d: {  	s5 =	simm.s32 @p1 $0x1;
	p0 =	seq.s32 s7, s2  }
0x1e: {  	s7 =	smul.u32 @!p0 $0xF7A, s2;
	p2 =	seq.s32 @!p0 s5, $0x0  }
0x1f: {  	s9 =	smul.u32 $0xF7A, s1;
	s8 =	simm.s32 @!p0 $0x1BF5;
	p2 =	por !p2, p0  }
0x20: {  	[sflag:s8] =	ssyncset.s32 @!p0 $0xFFFFF086;
	s6 =	sadd.s32 @!p0 s3, s7;
	s7 =	simm.s32 @!p0 $0x108  }
0x21: {  	s3 =	sadd.s32 s3, s9;
	s6 =	sadd.s32 @!p0 $0x88, s6;
	s7 =	simm.s32 @p2 $0x1082  }
0x22: {  	[simem:s7], [sflag:s8] =	dma.local @!p0 [hbm:s6], $0xF7A  }
0x23: {  	s9 =	sor.u32 $0xD0000000, s2;
	s6 =	simm.s32 $0x108;
	_ =	swait.ge @!p0 [sflag:s8], $0x0  }
0x24: {  	s3 =	sadd.s32 $0x88, s3;
	s6 =	simm.s32 @!p1 $0x1082;
	[sflag:s4] =	ssyncset.s32 $0xFFFFF086  }
0x25: {  	[simem:s6], [sflag:s4] =	dma.local [hbm:s3], $0xF7A  }
0x26: {  	[smem:$0x3F8C] =	sst s1;
	(tag) =	ssettag s2;
	_ =	strace s9  }
0x27: {  	s1 =	sld [smem:$0x3F9C]  }
0x28: {  	s2 =	sld [smem:$0x3F9D]  }
0x29: {  	s4 =	sld [smem:$0x3F9F]  }
0x2a: {  	p0 =	seq.s32 s5, $0x0;
	s5 =	sld [smem:$0x3FA0]  }
0x2b: {  	s6 =	sld [smem:$0x3FA1]  }
0x2c: {  	s7 =	sld [smem:$0x3FA2]  }
0x2d: {  	s3 =	simm.s32 $0x108;
	s8 =	sld [smem:$0x3FA3]  }
0x2e: {  	s3 =	simm.s32 @!p0 $0x1082;
	s9 =	sld [smem:$0x3FA4]  }
0x2f: {  	lr =	sadd.s32 s0, s3;
	s0 =	sld [smem:$0x3F9B]  }
0x30: {  	s3 =	sld [smem:$0x3F9E]  }
0x31: {  	[smem:$0x3FA7] =	sst s10  }
0x32: {  	s10 =	sld [smem:$0x3FA5];
	_ =	sdelay $0x3  }
0x33: {  	p0 =	seq.s32 s10, $0x1;
	s10 =	sld [smem:$0x3FA7];
	_ =	sdelay $0x3  }
0x34: {  	[smem:$0x3FA7] =	sst s10  }
0x35: {  	s10 =	sld [smem:$0x3FA6];
	_ =	sdelay $0x3  }
0x36: {  	p1 =	seq.s32 s10, $0x1;
	s10 =	sld [smem:$0x3FA7];
	_ =	sdelay $0x3  }
0x37: {  	[smem:$0x3FA7] =	sst s10  }
0x38: {  	s10 =	sld [smem:$0x3FA8]  }
0x39: {  	_ = 	snop;
	(pc) =	sbr.ind lr, $3  }
0x3a: {  	_ = 	snop  }
0x3b: {  	_ = 	snop  }
0x3c: {  	p2 =	seq.s32 s10, $0x1;
	s10 =	sld [smem:$0x3FA7]  }
0x3d: {  	_ =	shalt  }
0x3e: {  	_ =	shalt  }
0x3f: {  	_ =	shalt  }
0x40: {  	_ =	shalt  }
0x41: {  	_ =	shalt  }
0x42: {  	_ =	shalt  }
0x43: {  	_ =	shalt  }
0x44: {  	_ =	shalt  }
0x45: {  	_ =	shalt  }
0x46: {  	_ =	shalt  }
0x47: {  	_ =	shalt  }
0x48: {  	_ =	shalt  }
0x49: {  	_ =	shalt  }
0x4a: {  	_ =	shalt  }
0x4b: {  	_ =	shalt  }
0x4c: {  	_ =	shalt  }
0x4d: {  	_ =	shalt  }
0x4e: {  	_ =	shalt  }
0x4f: {  	_ =	shalt  }
0x50: {  	_ =	shalt  }
0x51: {  	_ =	shalt  }
0x52: {  	_ =	shalt  }
0x53: {  	_ =	shalt  }
0x54: {  	_ =	shalt  }
0x55: {  	_ =	shalt  }
0x56: {  	_ =	shalt  }
0x57: {  	_ =	shalt  }
0x58: {  	_ =	shalt  }
0x59: {  	_ =	shalt  }
0x5a: {  	_ =	shalt  }
0x5b: {  	_ =	shalt  }
0x5c: {  	_ =	shalt  }
0x5d: {  	_ =	shalt  }
0x5e: {  	_ =	shalt  }
0x5f: {  	_ =	shalt  }
0x60: {  	_ =	shalt  }
0x61: {  	_ =	shalt  }
0x62: {  	_ =	shalt  }
0x63: {  	_ =	shalt  }
0x64: {  	_ =	shalt  }
0x65: {  	_ =	shalt  }
0x66: {  	_ =	shalt  }
0x67: {  	_ =	shalt  }
0x68: {  	_ =	shalt  }
0x69: {  	_ =	shalt  }
0x6a: {  	_ =	shalt  }
0x6b: {  	_ =	shalt  }
0x6c: {  	_ =	shalt  }
0x6d: {  	_ =	shalt  }
0x6e: {  	_ =	shalt  }
0x6f: {  	_ =	shalt  }
0x70: {  	_ =	shalt  }
0x71: {  	_ =	shalt  }
0x72: {  	_ =	shalt  }
0x73: {  	_ =	shalt  }
0x74: {  	_ =	shalt  }
0x75: {  	_ =	shalt  }
0x76: {  	_ =	shalt  }
0x77: {  	_ =	shalt  }
0x78: {  	_ =	shalt  }
0x79: {  	_ =	shalt  }
0x7a: {  	_ =	shalt  }
0x7b: {  	_ =	shalt  }
0x7c: {  	_ =	shalt  }
0x7d: {  	_ =	shalt  }
0x7e: {  	_ =	shalt  }
0x7f: {  	_ =	shalt  }
0x80: {  	_ =	shalt  }
0x81: {  	_ =	shalt  }
0x82: {  	_ =	shalt  }
0x83: {  	_ =	shalt  }
0x84: {  	_ =	shalt  }
0x85: {  	_ =	shalt  }
0x86: {  	_ =	shalt  }
0x87: {  	_ =	shalt  }
.Lfunc_end0:
.L_simem_size_0:
called_computation_lowered:
.L_overlay_start_0:
0x88: {  	s2 =	sld [smem:$0x3FD9]  }
0x89: {  	s3 =	sld [smem:$0x3FFE];
	_ =	sdelay $0x1  }
0x8a: {  	s1 =	srdreg.scid  }
0x8b: {  	s0 =	sand.u32 $0x1, s1  }
0x8c: {  	s16 =	sshll.u32 s0, $0xA;
	s2 =	sadd.s32 s3, s2  }
0x8d: {  	s2 =	sadd.s32 s2, s16  }
0x8e: {  	[smem:$0x3FB3] =	sst s2  }
0x8f: {  	_ = 	snop  }
0x90: {  	(tm) =	ssettm $0x1  }
0x91: {  	s17 =	sld [smem:$0x3FFB];
	_ =	sdelay $0x3  }
0x92: {  	_ =	strace s17  }
0x93: {  	s2 =	sld [smem:$0x3FFC];
	_ =	sdelay $0x3  }
0x94: {  	_ =	strace s2  }
0x95: {  	s2 =	sld [smem:$0x3FFD];
	_ =	sdelay $0x3  }
0x96: {  	_ =	strace s2  }
0x97: {  	_ =	strace $0x8FFFFFFF  }
0x98: {  	s18 =	sld [smem:$0x3FDB];
	_ =	sdelay $0x1  }
0x99: {  	s19 =	simm.s32 $_scs_section_size  }
0x9a: {  	s4 =	simm.s32 $_size__tile_overlayer_lowered;
	s5 =	simm.s32 $_tile_overlayer_lowered  }
0x9b: {  	s22 =	simm.s32 $0x1BFF;
	s21 =	sshll.u32 s5, $0x1;
	s2 =	sadd.s32 s19, s18  }
0x9c: {  	s6 =	simm.s32 $0x0;
	s20 =	sshll.u32 s4, $0x1;
	s4 =	sadd.s32 s21, s2  }
0x9d: {  	[timem:s6], [sflag:s22] =	dma.local [hbm:s4], s20  }
0x9e: {  	_ =	swait.ge [sflag:s22], s20  }
0x9f: {  	s3 =	ssub.s32 $0x0, s20;
	[sflag:s22] =	ssyncset.done $0x0  }
0xa0: {  	[sflag:s22] =	ssyncadd.s32 s3;
	_ =	sdelay $0x1  }
0xa1: {  	s23 =	simm.s32 $0x1B8B  }
0xa2: {  	_ =	swait.ge [sflag:s23], $0x1  }
0xa3: {  	[sflag:s23] =	ssyncset.done $0x0  }
0xa4: {  	s25 =	simm.s32 $0x1B8E;
	s24 =	sld [smem:$0x3FFE];
	[sflag:s23] =	ssyncadd.s32 $0xFFFFFFFF  }
0xa5: {  	s26 =	simm.s32 $execute0_lowered;
	[smem:$0x3FD2] =	sst s25  }
0xa6: {  	s4 =	sshll.u32 s26, $0x1;
	_ =	strace $0x80000046;
	[dreg:$0x1] =	wrdreg $0xFFFFFFFF  }
0xa7: {  	s28 =	simm.s32 $_size_execute0_lowered;
	s2 =	sadd.s32 s2, s4;
	[dreg:$0x0] =	wrdreg $0x0  }
0xa8: {  	s4 =	sshll.u32 s28, $0x1;
	[dreg:$0x2] =	wrdreg s2  }
0xa9: {  	[dreg:$0x3] =	wrdreg s4  }
0xaa: {  	[dreg:$0x4] =	wrdreg $0xC0  }
0xab: {  	_ =	task [dreg:s6], $0x5FFFF  }
0xac: {  	[dreg:$0x1] =	wrdreg $0xFFFFFFFF  }
0xad: {  	[dreg:$0x0] =	wrdreg $0x60  }
0xae: {  	[dreg:$0x2] =	wrdreg s24  }
0xaf: {  	[dreg:$0x3] =	wrdreg $0x9  }
0xb0: {  	_ =	task.clear_ibuf [dreg:s6], $0x4FFFF;
	_ =	strace $0x90000046  }
0xb1: {  	s29 =	simm.s32 $0x9;
	_ =	strace $0x80000048  }
0xb2: {  	_ =	swait.ge [sflag:s29], $0x1  }
0xb3: {  	[sflag:s29] =	ssyncadd.s32 $0xFFFFFFFF  }
0xb4: {  	_ =	strace $0x90000048  }
0xb5: {  	_ =	sfence  }
0xb6: {  	s30 =	sld [smem:$0x0];
	_ =	sdelay $0x2  }
0xb7: {  	s31 =	sshll.u32 s1, $0xD;
	s1 =	sshrl.u32 s1, $0x2  }
0xb8: {  	s3 =	sand.u32 $0x4000, s31;
	s1 =	sadd.s32 s1, s30  }
0xb9: {  	s0 =	sor.u32 s3, s0;
	s1 =	sshll.u32 s1, $0x11  }
0xba: {  	s0 =	sor.u32 s1, s0  }
0xbb: {  	s0 =	sadd.s32 $0x8F2B, s0  }
0xbc: {  	[sflag:s0] =	ssyncadd.remote.s32 $0x1  }
0xbd: {  	_ =	sfence.sel $0xFFFF  }
0xbe: {  	[dreg:$0x0] =	wrdreg $0xFFFFFFFF;
	(pc) =	sbr.abs _section_cstart, $3  }
0xbf: {  	[dreg:$0x1] =	wrdreg $0xFFFFFFFF  }
0xc0: {  	_ =	task.clear_ibuf [dreg:s6], $0x2FFFF;
	_ =	strace $0x9FFFFFFF  }
0xc1: {  	(tm) =	ssettm $0x7FFFFFFF  }
tec
execute0_lowered:
.L_overlay_start_1:
0x0: {  	(tag) =	ssettag $0x1  }
0x1: {  	s1 =	srdreg.scid;
	s0 =	stileid.u32  }
0x2: {  	s6 =	rddreg [dreg:$0x0];
	s7 =	simm.s32 $0x1;
	s1 =	sshll.u32 s1, $0x5  }
0x3: {  	s30 =	simm.s32 $0x2;
	s2 =	sshll.u32 s0, $0x6;
	s3 =	sand.u32 $0x20, s1  }
0x4: {  	s31 =	simm.s32 $0x3;
	s11 =	simm.s32 $0x0;
	s2 =	sor.u32 s2, s3  }
0x5: {  	s9 =	simm.s32 $0x0;
	s4 =	sadd.s32 $0x5C00, s6;
	s5 =	ssub.s32 $0x500, s2  }
0x6: {  	s1 =	rddreg [dreg:$0x1];
	_ =	strace $0x80000047;
	s8 =	sand.u32 $0x3E0, s5  }
0x7: {  	s3 =	sadd.s32 $0x5600, s6;
	[sflag:s7] =	ssyncpa.u1 $0x0;
	p0 =	sne.s32 s8, $0x0  }
0x8: {  	s6 =	sadd.s32 $0x5E00, s6;
	s5 =	sshrl.u32 s5, $0xA;
	s7 =	simm.s32 @!p0 $0x0  }
0x9: {  	[sflag:s30] =	ssyncpa.u1 $0x0;
	s10 =	smov.u32 s2;
	s5 =	sadd.s32 s7, s5  }
0xa: {  	[sflag:s31] =	ssyncpa.u1 $0x0;
	s8 =	simm.s32 $0x0;
	s7 =	sadd.s32 $0x1, s5  }
.LBB2_1:
0xb: {  	p0 =	sge.u32 s9, s5  }
0xc: {  	s31 =	sadd.s32 $0xFFFFFFFF, s9;
	s12 =	sxor.u32 @!p0 $0xFFFFFFFF, s8;
	s13 =	sshrl.u32 @!p0 s10, $0x3  }
0xd: {  	s14 =	sand.u32 @!p0 $0x7, s10;
	s12 =	sand.u32 @!p0 $0x20, s12;
	s13 =	sadd.s32 @!p0 s4, s13  }
0xe: {  	[tilespmem:s12], [sflag:$0x2] =	stream.linear.gather @!p0 [hbm4b:s13+s14], $0x20, $0x38;
	[tilespmem:$0x80] =	vst v63  }
0xf: {  	p0 =	sge.u32 s31, s5  }
0x10: {  	s12 =	simm.s32 @!p0 $0x2  }
0x11: {  	_ =	swait.ge @!p0 [sflag:s12], $0x20  }
0x12: {  	[sflag:s12] =	ssyncset.done @!p0 $0x0  }
0x13: {  	[sflag:s12] =	ssyncadd.s32 @!p0 $0xFFFFFFE0;
	s12 =	sand.u32 @!p0 $0x20, s8  }
0x14: {  	(ifvalue) =	ssetifvalue @!p0 $0x7FFFFFFF;
	v0 =	vld.msk @!p0 [tilespmem:s12+$0x0 ss:$0x1], $0xffff;
	_ =	sdelay $0x4  }
0x15: {  	vm0 =	vgt.s32 @!p0 v0, $0x0  }
0x16: {  	v0 =	vnsel @!p0 vm0, $0x0, v0  }
0x17: {  	v0 =	vmin.u32 @!p0 v0, $0x27FF;
	_ =	sdelay $0x2  }
0x18: {  	s14 =	simm.s32 @!p0 $0x0  }
0x19: {  	s13 =	sor.u32 @!p0 $0x40, s12;
	(ifvalue) =	ssetifvalue @!p0 $0x7FFFFFFF;
	s15 =	sor.u32 @!p0 $0x10, s12;
	vm0 =	vmmov @!p0 $0xffff  }
0x1a: {  	[tilespmem:s13], [sflag:$0x1] =	stream.indirect_vreg.gather @!p0 [hbm4b:s3+s14], $0x1, v0, vm0, $0x4038;
	[tilespmem:$0x80] =	vst v63  }
0x1b: {  	v0 =	vld.msk @!p0 [tilespmem:s15+$0x0 ss:$0x1], $0xffff;
	_ =	sdelay $0x4  }
0x1c: {  	vm1 =	vgt.s32 @!p0 v0, $0x0  }
0x1d: {  	v0 =	vnsel @!p0 vm1, $0x0, v0  }
0x1e: {  	v0 =	vmin.u32 @!p0 v0, $0x27FF;
	_ =	sdelay $0x3  }
0x1f: {  	s12 =	sor.u32 @!p0 $0x50, s12;
	(ifvalue) =	ssetifvalue @!p0 $0x7FFFFFFF  }
0x20: {  	[tilespmem:s12], [sflag:$0x1] =	stream.indirect_vreg.gather @!p0 [hbm4b:s3+s14], $0x1, v0, vm0, $0x4038;
	[tilespmem:$0x80] =	vst v63  }
0x21: {  	s12 =	simm.s32 @!p0 $0x1  }
0x22: {  	_ =	swait.ge @!p0 [sflag:s12], $0x20  }
0x23: {  	s14 =	sshrl.u32 @!p0 s11, $0x3;
	[sflag:s12] =	ssyncset.done @!p0 $0x0  }
0x24: {  	s11 =	sand.u32 @!p0 $0x7, s11;
	[sflag:s12] =	ssyncadd.s32 @!p0 $0xFFFFFFE0;
	s12 =	sadd.s32 @!p0 s6, s14  }
0x25: {  	[hbm4b:s12+s11] =	stream.linear.scatter @!p0 [tilespmem:s13], [sflag:$0x3], $0x20, $0x38;
	[tilespmem:$0x80] =	vst v63  }
0x26: {  	s13 =	sadd.s32 $0x400, s10  }
0x27: {  	p1 =	sgt.s32 s13, $0x4FF  }
0x28: {  	s13 =	smov.u32 @p1 s2;
	p1 =	sne.s32 s9, s7  }
.Ltmp0:
0x29: {  	p0 =	slt.u32 s9, $0x2;
	(pc) =	sbr.rel @p1 .LBB2_1-.Ltmp0, $4  }
0x2a: {  	s12 =	simm.s32 @!p0 $0x3  }
0x2b: {  	_ =	swait.ge @!p0 [sflag:s12], $0x20  }
0x2c: {  	s8 =	sadd.s32 $0x20, s8;
	s11 =	smov.u32 s10;
	[sflag:s12] =	ssyncset.done @!p0 $0x0  }
0x2d: {  	s9 =	sadd.s32 $0x1, s9;
	s10 =	smov.u32 s13;
	[sflag:s12] =	ssyncadd.s32 @!p0 $0xFFFFFFE0  }
0x2e: {  	_ =	sfence.sel $0x180000  }
0x2f: {  	s2 =	simm.s32 $0x2;
	[bflag:$0x0] =	sbarrier.arrive $0xFFFF  }
0x30: {  	s30 =	simm.s32 $0x3;
	[sflag:s2] =	ssyncpa.u1 $0x1  }
0x31: {  	s31 =	simm.s32 $0x1;
	[sflag:s30] =	ssyncpa.u1 $0x1  }
0x32: {  	[sflag:s31] =	ssyncpa.u1 $0x1  }
0x33: {  	p0 =	sne.s32 s0, $0x0;
	_ =	strace $0x90000047  }
0x34: {  	s0 =	sadd.s32 @!p0 $0x100000, s1;
	[bflag:$0x2] =	sbarrier.arrive $0xFFFF  }
0x35: {  	[sflag:s0] =	ssyncadd.tile.s32 @!p0 $0x1;
	_ =	shalt  }
.Lfunc_end2:
_tile_overlayer_lowered:
.L_overlay_start_2:
0x36: {  	(tag) =	ssettag $0x2  }
0x37: {  	s0 =	rddreg [dreg:$0x0];
	s2 =	stileid.u32  }
0x38: {  	s1 =	rddreg [dreg:$0x1];
	p0 =	sne.s32 s2, $0x0  }
0x39: {  	s3 =	rddreg [dreg:$0x2];
	[bflag:$0x3] =	sbarrier.arrive $0xFFFF;
	s2 =	simm.s32 @!p0 $0x1C01  }
0x3a: {  	[timem:s3], [sflag:s2] =	dma.local @!p0 [hbm:s0], s1  }
0x3b: {  	s0 =	simm.s32 @!p0 $0x1  }
0x3c: {  	_ =	swait.ge @!p0 [sflag:s0], s1  }
0x3d: {  	s1 =	ssub.s32 @!p0 $0x0, s1;
	[sflag:s0] =	ssyncset.done @!p0 $0x0  }
0x3e: {  	[sflag:s0] =	ssyncadd.s32 @!p0 s1  }
0x3f: {  	[bflag:$0x3] =	sbarrier.arrive $0xFFFF  }
0x40: {  	_ =	shalt  }

</sc_bundles>
